<compile_context>
chip_gen: v7x
topology: tpu7x:2x2x1
jax: 0.10.2.dev20260603
libtpu: 0.0.44.dev20260713+nightly
codegen_flags: <defaults>
</compile_context>

<pallas_src>
import functools

import jax
import jax.numpy as jnp
from jax import lax
from jax.experimental import pallas as pl
from jax.experimental.pallas import tpu as pltpu
from jax.experimental.pallas import tpu_sc as plsc

B, S, D, H = 4, 8192, 1024, 1024
NW = 32
PER_TILE = (B * S) // NW
CH = 16
NCH = PER_TILE // CH
DCH = D // 16
NACC = 8


def _pool_body(ids_hbm, msk_hbm, table_hbm, out_hbm, idx_v, msk_v, ridx_v,
               r0_v, rows0_v, rows1_v, rows2_v, rows3_v, acc_v, sem0, sem1,
               sem2, sem3, isem):
  c = lax.axis_index("c")
  s = lax.axis_index("s")
  w = s * 2 + c
  b = w % B
  k = w // B
  off = k * PER_TILE

  bufs = (rows0_v, rows1_v, rows2_v, rows3_v)
  sems = (sem0, sem1, sem2, sem3)

  pltpu.async_copy(ids_hbm.at[b, pl.ds(off, PER_TILE)], idx_v, isem)
  pltpu.async_copy(msk_hbm.at[b, pl.ds(off, PER_TILE)], msk_v, isem)

  @plsc.parallel_loop(0, DCH, 1, unroll=4)
  def zero_body(ci):
    acc_v[0, pl.ds(ci * 16, 16)] = jnp.zeros((16,), jnp.float32)

  ridx_v[...] = jnp.zeros((16,), jnp.int32)
  pltpu.make_async_copy(ids_hbm.at[b, pl.ds(off, PER_TILE)], idx_v, isem).wait()
  pltpu.make_async_copy(msk_hbm.at[b, pl.ds(off, PER_TILE)], msk_v, isem).wait()

  @pl.when(w == 0)
  def _():
    pltpu.async_copy(table_hbm.at[ridx_v.at[pl.ds(0, 8)]], r0_v, isem)

  @plsc.parallel_loop(0, PER_TILE // 16, 1, unroll=4)
  def sel_body(i):
    sl = pl.ds(i * 16, 16)
    idx_v[sl] = jnp.where(msk_v[sl] != 0, idx_v[sl], 0)

  def start(j, buf, sem):
    pltpu.async_copy(table_hbm.at[idx_v.at[pl.ds(j * CH, CH)]], buf, sem)

  def wait(j, buf, sem):
    pltpu.make_async_copy(
        table_hbm.at[idx_v.at[pl.ds(j * CH, CH)]], buf, sem).wait()

  def accumulate(buf):
    @plsc.parallel_loop(0, DCH, 1, unroll=2)
    def col_body(ci):
      sl = pl.ds(ci * 16, 16)
      vs = [buf[r, sl] for r in range(NACC)]
      for r in range(NACC, CH):
        vs[r % NACC] = vs[r % NACC] + buf[r, sl]
      t0 = (vs[0] + vs[1]) + (vs[2] + vs[3])
      t1 = (vs[4] + vs[5]) + (vs[6] + vs[7])
      plsc.addupdate(acc_v.at[0, sl], t0 + t1)

  for p in range(4):
    start(p, bufs[p], sems[p])

  def ring_body(t, carry):
    j = 4 * t
    for q in range(4):
      jq = j + q
      wait(jq, bufs[q], sems[q])
      accumulate(bufs[q])

      @pl.when(jq + 4 < NCH)
      def _():
        start(jq + 4, bufs[q], sems[q])

    return carry

  lax.fori_loop(0, NCH // 4, ring_body, 0)
  pltpu.sync_copy(acc_v, out_hbm.at[pl.ds(w, 1)])

  @pl.when(w == 0)
  def _():
    pltpu.make_async_copy(
        table_hbm.at[ridx_v.at[pl.ds(0, 8)]], r0_v, isem).wait()
    pltpu.sync_copy(r0_v.at[pl.ds(0, 1)], out_hbm.at[pl.ds(NW, 1)])


_pool = functools.partial(
    pl.kernel,
    mesh=plsc.VectorSubcoreMesh(core_axis_name="c", subcore_axis_name="s"),
    out_type=jax.ShapeDtypeStruct((NW + 1, D), jnp.float32),
    scratch_types=(
        [pltpu.VMEM((PER_TILE,), jnp.int32),
         pltpu.VMEM((PER_TILE,), jnp.int32),
         pltpu.VMEM((16,), jnp.int32),
         pltpu.VMEM((8, D), jnp.float32)]
        + [pltpu.VMEM((CH, D), jnp.float32) for _ in range(4)]
        + [pltpu.VMEM((1, D), jnp.float32)]
        + [pltpu.SemaphoreType.DMA for _ in range(5)]
    ),
)(_pool_body)


def _head_body(p_ref, mask_ref, w1_ref, b1_ref, w2_ref, b2_ref, out_ref):
  p = p_ref[...]
  r1 = p[0:16] + p[16:32]
  r2 = r1[0:8] + r1[8:16]
  feats = r2[0:4] + r2[4:8]

  msum = jnp.sum(mask_ref[...].astype(jnp.float32), axis=1, keepdims=True)
  feats = feats - (float(S) - msum) * p[NW:NW + 1]
  feats = feats / jnp.clip(msum, 1e-6, None)

  h = jnp.dot(feats, w1_ref[...], preferred_element_type=jnp.float32)
  h = h + b1_ref[...]
  h = h * jax.nn.sigmoid(h)
  o = lax.dot_general(w2_ref[...], h, (((1,), (1,)), ((), ())),
                      preferred_element_type=jnp.float32)
  out_ref[...] = o + b2_ref[...]


_head = pl.pallas_call(
    _head_body,
    out_shape=jax.ShapeDtypeStruct((1, B), jnp.float32),
)


def kernel(input_ids, attention_mask, table, W1, b1, W2, b2):
  mask = attention_mask.astype(jnp.int32)
  ids = input_ids.astype(jnp.int32)
  partials = _pool(ids, mask, table)
  out = _head(
      partials,
      mask,
      W1,
      b1.reshape(1, H),
      W2.reshape(1, H),
      b2.reshape(1, 1),
  )
  return out.reshape(B)

# --- scband reference (transcript-rebuilt; emitter-appended) ---
"""Pipeline reference for scband-utterance-value-estimator-64484638982495 (READ-ONLY COPY).

The authoritative reference and input builder live on the scoring server;
editing this copy changes nothing except your own understanding.
"""

import jax, jax.numpy as jnp
import numpy as np

B, S, V, D, H = 4, 8192, 100000, 1024, 1024

def setup_inputs(seed: int = 0) -> dict:
    key = jax.random.key(seed)
    ks = jax.random.split(key, 5)
    input_ids = jax.random.randint(ks[0], (B, S), 0, V, dtype=jnp.int64)
    attention_mask = jnp.ones((B, S), dtype=jnp.int32)
    table = jax.random.normal(ks[1], (V, D), dtype=jnp.float32) * 0.02
    W1 = jax.random.normal(ks[2], (D, H), dtype=jnp.float32) * (1.0 / np.sqrt(D))
    b1 = jnp.zeros((H,), dtype=jnp.float32)
    W2 = jax.random.normal(ks[3], (H, 1), dtype=jnp.float32) * (1.0 / np.sqrt(H))
    b2 = jnp.zeros((1,), dtype=jnp.float32)
    return {"input_ids": input_ids, "attention_mask": attention_mask, "table": table, "W1": W1, "b1": b1, "W2": W2, "b2": b2}

def reference(input_ids, attention_mask, table, W1, b1, W2, b2):
    # frozen LM input-embedding lookup (gather) -- SparseCore-style op
    emb = jnp.take(table, input_ids, axis=0)              # [B, S, D]
    mask = attention_mask.astype(jnp.float32)[..., None]  # [B, S, 1]
    summed = (emb * mask).sum(axis=1)                     # [B, D]
    denom = jnp.clip(mask.sum(axis=1), 1e-06, None)       # [B, 1]
    feats = summed / denom                                # [B, D]
    # value head MLP (Linear -> SiLU -> Linear)
    h = jax.nn.silu(feats @ W1 + b1)                      # [B, H]
    out = (h @ W2 + b2).squeeze(-1)                       # [B]
    return out

if __name__ == "__main__":
    import jax
    _d = setup_inputs()
    print(jax.jit(kernel)(*tuple(_d.values())))

</pallas_src>

<mosaic_0001>
#map = affine_map<(d0, d1) -> (0, 0)>
module attributes {stable_mosaic.version = 14 : i64} {
  func.func @_pool_body(%arg0: i32, %arg1: i32, %arg2: memref<4x8192xi32, #tpu.memory_space<hbm>>, %arg3: memref<4x8192xi32, #tpu.memory_space<hbm>>, %arg4: memref<100000x1024xf32, #tpu.memory_space<hbm>>, %arg5: memref<33x1024xf32, #tpu.memory_space<hbm>>, %arg6: memref<1024xi32, #tpu.memory_space<vmem>>, %arg7: memref<1024xi32, #tpu.memory_space<vmem>>, %arg8: memref<16xi32, #tpu.memory_space<vmem>>, %arg9: memref<8x1024xf32, #tpu.memory_space<vmem>>, %arg10: memref<16x1024xf32, #tpu.memory_space<vmem>>, %arg11: memref<16x1024xf32, #tpu.memory_space<vmem>>, %arg12: memref<16x1024xf32, #tpu.memory_space<vmem>>, %arg13: memref<16x1024xf32, #tpu.memory_space<vmem>>, %arg14: memref<1x1024xf32, #tpu.memory_space<vmem>>, %arg15: memref<!tpu.dma_semaphore, #tpu.memory_space<semaphore_mem>>, %arg16: memref<!tpu.dma_semaphore, #tpu.memory_space<semaphore_mem>>, %arg17: memref<!tpu.dma_semaphore, #tpu.memory_space<semaphore_mem>>, %arg18: memref<!tpu.dma_semaphore, #tpu.memory_space<semaphore_mem>>, %arg19: memref<!tpu.dma_semaphore, #tpu.memory_space<semaphore_mem>>) attributes {dimension_semantics = [#tpu.dimension_semantics<core_parallel>, #tpu.dimension_semantics<subcore_parallel>], iteration_bounds = array<i64: 2, 16>, scalar_prefetch = 0 : i64, scratch_operands = 14 : i64, tpu.core_type = #tpu.core_type<sc_vector_subcore>, window_params = [{transform_indices = #map}, {transform_indices = #map}, {transform_indices = #map}, {transform_indices = #map}]} {
    %mul3A = arith.constant 2 : i32
    %mul3A_0 = arith.muli %arg1, %mul3A : i32
    %add3A = arith.addi %mul3A_0, %arg0 : i32
    %jit3A = arith.constant 4 : i32
    %eq3A = arith.constant 0 : i32
    %eq3A_1 = arith.cmpi eq, %jit3A, %eq3A : i32
    %jit3A_2 = arith.constant 1 : i32
    %select_n3A = arith.select %eq3A_1, %jit3A_2, %jit3A : i32
    %rem3A = arith.remsi %add3A, %select_n3A : i32
    %ne3A = arith.constant 0 : i32
    %ne3A_3 = arith.cmpi ne, %rem3A, %ne3A : i32
    %lt3A = arith.constant 0 : i32
    %lt3A_4 = arith.cmpi slt, %rem3A, %lt3A : i32
    %lt3A_5 = arith.constant 0 : i32
    %lt3A_6 = arith.cmpi slt, %select_n3A, %lt3A_5 : i32
    %ne3A_7 = arith.xori %lt3A_4, %lt3A_6 : i1
    %and3A = arith.andi %ne3A_7, %ne3A_3 : i1
    %add3A_8 = arith.addi %rem3A, %select_n3A : i32
    %select_n3A_9 = arith.select %and3A, %add3A_8, %rem3A : i32
    %jit3A_10 = arith.constant 4 : i32
    %div3A = arith.divsi %add3A, %jit3A_10 : i32
    %sign3A = arith.constant 0 : i32
    %sign3A_11 = arith.cmpi sgt, %add3A, %sign3A : i32
    %sign3A_12 = arith.extui %sign3A_11 : i1 to i32
    %sign3A_13 = arith.constant 0 : i32
    %sign3A_14 = arith.cmpi slt, %add3A, %sign3A_13 : i32
    %sign3A_15 = arith.extui %sign3A_14 : i1 to i32
    %sign3A_16 = arith.subi %sign3A_12, %sign3A_15 : i32
    %sign3A_17 = arith.constant 0 : i32
    %sign3A_18 = arith.cmpi sgt, %jit3A_10, %sign3A_17 : i32
    %sign3A_19 = arith.extui %sign3A_18 : i1 to i32
    %sign3A_20 = arith.constant 0 : i32
    %sign3A_21 = arith.cmpi slt, %jit3A_10, %sign3A_20 : i32
    %sign3A_22 = arith.extui %sign3A_21 : i1 to i32
    %sign3A_23 = arith.subi %sign3A_19, %sign3A_22 : i32
    %ne3A_24 = arith.cmpi ne, %sign3A_16, %sign3A_23 : i32
    %rem3A_25 = arith.remsi %add3A, %jit3A_10 : i32
    %ne3A_26 = arith.constant 0 : i32
    %ne3A_27 = arith.cmpi ne, %rem3A_25, %ne3A_26 : i32
    %and3A_28 = arith.andi %ne3A_24, %ne3A_27 : i1
    %sub3A = arith.constant 1 : i32
    %sub3A_29 = arith.subi %div3A, %sub3A : i32
    %select_n3A_30 = arith.select %and3A_28, %sub3A_29, %div3A : i32
    %mul3A_31 = arith.constant 1024 : i32
    %mul3A_32 = arith.muli %select_n3A_30, %mul3A_31 : i32
    %dma_start3A = tpu.memref_slice %arg2[%select_n3A_9, %mul3A_32] : memref<4x8192xi32, #tpu.memory_space<hbm>> -> memref<1x1024xi32, #tpu.memory_space<hbm>>
    %dma_start3A_33 = tpu.memref_squeeze %dma_start3A : memref<1x1024xi32, #tpu.memory_space<hbm>> -> memref<1024xi32, #tpu.memory_space<hbm>>
    %dma_start3A_34 = tpu.memref_slice %arg2[%select_n3A_9, %mul3A_32] : memref<4x8192xi32, #tpu.memory_space<hbm>> -> memref<1x1024xi32, #tpu.memory_space<hbm>>
    %dma_start3A_35 = tpu.memref_squeeze %dma_start3A_34 : memref<1x1024xi32, #tpu.memory_space<hbm>> -> memref<1024xi32, #tpu.memory_space<hbm>>
    tpu.enqueue_dma source(%dma_start3A_35 : memref<1024xi32, #tpu.memory_space<hbm>>) target(%arg6 : memref<1024xi32, #tpu.memory_space<vmem>>) target_semaphore(%arg19 : memref<!tpu.dma_semaphore, #tpu.memory_space<semaphore_mem>>)
    %dma_start3A_36 = tpu.memref_slice %arg3[%select_n3A_9, %mul3A_32] : memref<4x8192xi32, #tpu.memory_space<hbm>> -> memref<1x1024xi32, #tpu.memory_space<hbm>>
    %dma_start3A_37 = tpu.memref_squeeze %dma_start3A_36 : memref<1x1024xi32, #tpu.memory_space<hbm>> -> memref<1024xi32, #tpu.memory_space<hbm>>
    %dma_start3A_38 = tpu.memref_slice %arg3[%select_n3A_9, %mul3A_32] : memref<4x8192xi32, #tpu.memory_space<hbm>> -> memref<1x1024xi32, #tpu.memory_space<hbm>>
    %dma_start3A_39 = tpu.memref_squeeze %dma_start3A_38 : memref<1x1024xi32, #tpu.memory_space<hbm>> -> memref<1024xi32, #tpu.memory_space<hbm>>
    tpu.enqueue_dma source(%dma_start3A_39 : memref<1024xi32, #tpu.memory_space<hbm>>) target(%arg7 : memref<1024xi32, #tpu.memory_space<vmem>>) target_semaphore(%arg19 : memref<!tpu.dma_semaphore, #tpu.memory_space<semaphore_mem>>)
    %parallel_loop3A = arith.constant 0 : i32
    %parallel_loop3A_40 = arith.constant 64 : i32
    %parallel_loop3A_41 = arith.constant 1 : i32
    scf.for %parallel_loop3A_89 = %parallel_loop3A to %parallel_loop3A_40 step %parallel_loop3A_41  : i32 {
      %parallel_loop3A_90 = arith.constant 0.000000e+00 : f32
      %parallel_loop3A_91 = vector.broadcast %parallel_loop3A_90 : f32 to vector<16xf32>
      %parallel_loop3A_92 = arith.constant 16 : i32
      %parallel_loop3A_93 = arith.muli %parallel_loop3A_89, %parallel_loop3A_92 : i32
      %parallel_loop3A_94 = arith.constant 0 : i32
      %parallel_loop3A_95 = arith.index_cast %parallel_loop3A_94 : i32 to index
      %parallel_loop3A_96 = arith.index_cast %parallel_loop3A_93 : i32 to index
      %parallel_loop3A_97 = tpu.vector_load %arg14[%parallel_loop3A_95, %parallel_loop3A_96] {strides = array<i32>} : memref<1x1024xf32, #tpu.memory_space<vmem>>, vector<1x16xf32>,
      %parallel_loop3A_98 = vector.shape_cast %parallel_loop3A_97 : vector<1x16xf32> to vector<16xf32>
      %parallel_loop3A_99 = vector.shape_cast %parallel_loop3A_91 : vector<16xf32> to vector<1x16xf32>
      tpu.vector_store %arg14[%parallel_loop3A_95, %parallel_loop3A_96], %parallel_loop3A_99 {strides = array<i32>} : memref<1x1024xf32, #tpu.memory_space<vmem>>, vector<1x16xf32>,
    } {sc.loop_unroll_factor = 4 : i64, sc.parallel_access}
    %broadcast_in_dim3A = arith.constant 0 : i32
    %broadcast_in_dim3A_42 = vector.broadcast %broadcast_in_dim3A : i32 to vector<16xi32>
    %swap3A = arith.constant 0 : index
    %swap3A_43 = tpu.vector_load %arg8[%swap3A] {strides = array<i32>} : memref<16xi32, #tpu.memory_space<vmem>>, vector<16xi32>,
    %swap3A_44 = vector.shape_cast %swap3A_43 : vector<16xi32> to vector<16xi32>
    %swap3A_45 = vector.shape_cast %broadcast_in_dim3A_42 : vector<16xi32> to vector<16xi32>
    tpu.vector_store %arg8[%swap3A], %swap3A_45 {strides = array<i32>} : memref<16xi32, #tpu.memory_space<vmem>>, vector<16xi32>,
    %dma_wait3A = tpu.memref_slice %arg2[%select_n3A_9, %mul3A_32] : memref<4x8192xi32, #tpu.memory_space<hbm>> -> memref<1x1024xi32, #tpu.memory_space<hbm>>
    %dma_wait3A_46 = tpu.memref_squeeze %dma_wait3A : memref<1x1024xi32, #tpu.memory_space<hbm>> -> memref<1024xi32, #tpu.memory_space<hbm>>
    %dma_wait3A_47 = tpu.memref_slice %arg2[%select_n3A_9, %mul3A_32] : memref<4x8192xi32, #tpu.memory_space<hbm>> -> memref<1x1024xi32, #tpu.memory_space<hbm>>
    %dma_wait3A_48 = tpu.memref_squeeze %dma_wait3A_47 : memref<1x1024xi32, #tpu.memory_space<hbm>> -> memref<1024xi32, #tpu.memory_space<hbm>>
    tpu.wait_dma2 semaphore(%arg19 : memref<!tpu.dma_semaphore, #tpu.memory_space<semaphore_mem>>) src(%dma_wait3A_48 : memref<1024xi32, #tpu.memory_space<hbm>>) dst(%arg6 : memref<1024xi32, #tpu.memory_space<vmem>>)
    %dma_wait3A_49 = tpu.memref_slice %arg3[%select_n3A_9, %mul3A_32] : memref<4x8192xi32, #tpu.memory_space<hbm>> -> memref<1x1024xi32, #tpu.memory_space<hbm>>
    %dma_wait3A_50 = tpu.memref_squeeze %dma_wait3A_49 : memref<1x1024xi32, #tpu.memory_space<hbm>> -> memref<1024xi32, #tpu.memory_space<hbm>>
    %dma_wait3A_51 = tpu.memref_slice %arg3[%select_n3A_9, %mul3A_32] : memref<4x8192xi32, #tpu.memory_space<hbm>> -> memref<1x1024xi32, #tpu.memory_space<hbm>>
    %dma_wait3A_52 = tpu.memref_squeeze %dma_wait3A_51 : memref<1x1024xi32, #tpu.memory_space<hbm>> -> memref<1024xi32, #tpu.memory_space<hbm>>
    tpu.wait_dma2 semaphore(%arg19 : memref<!tpu.dma_semaphore, #tpu.memory_space<semaphore_mem>>) src(%dma_wait3A_52 : memref<1024xi32, #tpu.memory_space<hbm>>) dst(%arg7 : memref<1024xi32, #tpu.memory_space<vmem>>)
    %eq3A_53 = arith.constant 0 : i32
    %eq3A_54 = arith.cmpi eq, %add3A, %eq3A_53 : i32
    %convert_element_type3A = arith.extui %eq3A_54 : i1 to i32
    %cond3A = arith.constant 0 : i32
    %cond3A_55 = arith.cmpi ne, %convert_element_type3A, %cond3A : i32
    scf.if %cond3A_55 {
      %dma_start3A_89 = arith.constant 0 : i32
      %dma_start3A_90 = tpu.memref_slice %arg8[%dma_start3A_89] : memref<16xi32, #tpu.memory_space<vmem>> -> memref<8xi32, #tpu.memory_space<vmem>>
      %dma_start3A_91 = arith.constant 0 : i32
      %dma_start3A_92 = arith.constant 0 : i32
      %dma_start3A_93 = tpu.memref_slice %arg4[%dma_start3A_91, %dma_start3A_92] : memref<100000x1024xf32, #tpu.memory_space<hbm>> -> memref<100000x1024xf32, #tpu.memory_space<hbm>>
      tpu.enqueue_indirect_dma source(%dma_start3A_93 : memref<100000x1024xf32, #tpu.memory_space<hbm>>) target(%arg9 : memref<8x1024xf32, #tpu.memory_space<vmem>>) offsets(%dma_start3A_90 : memref<8xi32, #tpu.memory_space<vmem>>) semaphore(%arg19 : memref<!tpu.dma_semaphore, #tpu.memory_space<semaphore_mem>>)
    } else {
    }
    %parallel_loop3A_56 = arith.constant 0 : i32
    %parallel_loop3A_57 = arith.constant 64 : i32
    %parallel_loop3A_58 = arith.constant 1 : i32
    scf.for %parallel_loop3A_89 = %parallel_loop3A_56 to %parallel_loop3A_57 step %parallel_loop3A_58  : i32 {
      %parallel_loop3A_90 = arith.constant 16 : i32
      %parallel_loop3A_91 = arith.muli %parallel_loop3A_89, %parallel_loop3A_90 : i32
      %parallel_loop3A_92 = arith.index_cast %parallel_loop3A_91 : i32 to index
      %parallel_loop3A_93 = tpu.vector_load %arg7[%parallel_loop3A_92] {strides = array<i32>} : memref<1024xi32, #tpu.memory_space<vmem>>, vector<16xi32>,
      %parallel_loop3A_94 = vector.shape_cast %parallel_loop3A_93 : vector<16xi32> to vector<16xi32>
      %parallel_loop3A_95 = arith.constant 0 : i32
      %parallel_loop3A_96 = vector.broadcast %parallel_loop3A_95 : i32 to vector<16xi32>
      %parallel_loop3A_97 = arith.cmpi ne, %parallel_loop3A_94, %parallel_loop3A_96 : vector<16xi32>
      %parallel_loop3A_98 = arith.index_cast %parallel_loop3A_91 : i32 to index
      %parallel_loop3A_99 = tpu.vector_load %arg6[%parallel_loop3A_98] {strides = array<i32>} : memref<1024xi32, #tpu.memory_space<vmem>>, vector<16xi32>,
      %parallel_loop3A_100 = vector.shape_cast %parallel_loop3A_99 : vector<16xi32> to vector<16xi32>
      %parallel_loop3A_101 = arith.constant 0 : i32
      %parallel_loop3A_102 = vector.broadcast %parallel_loop3A_101 : i32 to vector<16xi32>
      %parallel_loop3A_103 = arith.select %parallel_loop3A_97, %parallel_loop3A_100, %parallel_loop3A_102 : vector<16xi1>, vector<16xi32>
      %parallel_loop3A_104 = arith.index_cast %parallel_loop3A_91 : i32 to index
      %parallel_loop3A_105 = tpu.vector_load %arg6[%parallel_loop3A_104] {strides = array<i32>} : memref<1024xi32, #tpu.memory_space<vmem>>, vector<16xi32>,
      %parallel_loop3A_106 = vector.shape_cast %parallel_loop3A_105 : vector<16xi32> to vector<16xi32>
      %parallel_loop3A_107 = vector.shape_cast %parallel_loop3A_103 : vector<16xi32> to vector<16xi32>
      tpu.vector_store %arg6[%parallel_loop3A_104], %parallel_loop3A_107 {strides = array<i32>} : memref<1024xi32, #tpu.memory_space<vmem>>, vector<16xi32>,
    } {sc.loop_unroll_factor = 4 : i64, sc.parallel_access}
    %dma_start3A_59 = arith.constant 0 : i32
    %dma_start3A_60 = tpu.memref_slice %arg6[%dma_start3A_59] : memref<1024xi32, #tpu.memory_space<vmem>> -> memref<16xi32, #tpu.memory_space<vmem>>
    %dma_start3A_61 = arith.constant 0 : i32
    %dma_start3A_62 = arith.constant 0 : i32
    %dma_start3A_63 = tpu.memref_slice %arg4[%dma_start3A_61, %dma_start3A_62] : memref<100000x1024xf32, #tpu.memory_space<hbm>> -> memref<100000x1024xf32, #tpu.memory_space<hbm>>
    tpu.enqueue_indirect_dma source(%dma_start3A_63 : memref<100000x1024xf32, #tpu.memory_space<hbm>>) target(%arg10 : memref<16x1024xf32, #tpu.memory_space<vmem>>) offsets(%dma_start3A_60 : memref<16xi32, #tpu.memory_space<vmem>>) semaphore(%arg15 : memref<!tpu.dma_semaphore, #tpu.memory_space<semaphore_mem>>)
    %dma_start3A_64 = arith.constant 16 : i32
    %dma_start3A_65 = tpu.memref_slice %arg6[%dma_start3A_64] : memref<1024xi32, #tpu.memory_space<vmem>> -> memref<16xi32, #tpu.memory_space<vmem>>
    %dma_start3A_66 = arith.constant 0 : i32
    %dma_start3A_67 = arith.constant 0 : i32
    %dma_start3A_68 = tpu.memref_slice %arg4[%dma_start3A_66, %dma_start3A_67] : memref<100000x1024xf32, #tpu.memory_space<hbm>> -> memref<100000x1024xf32, #tpu.memory_space<hbm>>
    tpu.enqueue_indirect_dma source(%dma_start3A_68 : memref<100000x1024xf32, #tpu.memory_space<hbm>>) target(%arg11 : memref<16x1024xf32, #tpu.memory_space<vmem>>) offsets(%dma_start3A_65 : memref<16xi32, #tpu.memory_space<vmem>>) semaphore(%arg16 : memref<!tpu.dma_semaphore, #tpu.memory_space<semaphore_mem>>)
    %dma_start3A_69 = arith.constant 32 : i32
    %dma_start3A_70 = tpu.memref_slice %arg6[%dma_start3A_69] : memref<1024xi32, #tpu.memory_space<vmem>> -> memref<16xi32, #tpu.memory_space<vmem>>
    %dma_start3A_71 = arith.constant 0 : i32
    %dma_start3A_72 = arith.constant 0 : i32
    %dma_start3A_73 = tpu.memref_slice %arg4[%dma_start3A_71, %dma_start3A_72] : memref<100000x1024xf32, #tpu.memory_space<hbm>> -> memref<100000x1024xf32, #tpu.memory_space<hbm>>
    tpu.enqueue_indirect_dma source(%dma_start3A_73 : memref<100000x1024xf32, #tpu.memory_space<hbm>>) target(%arg12 : memref<16x1024xf32, #tpu.memory_space<vmem>>) offsets(%dma_start3A_70 : memref<16xi32, #tpu.memory_space<vmem>>) semaphore(%arg17 : memref<!tpu.dma_semaphore, #tpu.memory_space<semaphore_mem>>)
    %dma_start3A_74 = arith.constant 48 : i32
    %dma_start3A_75 = tpu.memref_slice %arg6[%dma_start3A_74] : memref<1024xi32, #tpu.memory_space<vmem>> -> memref<16xi32, #tpu.memory_space<vmem>>
    %dma_start3A_76 = arith.constant 0 : i32
    %dma_start3A_77 = arith.constant 0 : i32
    %dma_start3A_78 = tpu.memref_slice %arg4[%dma_start3A_76, %dma_start3A_77] : memref<100000x1024xf32, #tpu.memory_space<hbm>> -> memref<100000x1024xf32, #tpu.memory_space<hbm>>
    tpu.enqueue_indirect_dma source(%dma_start3A_78 : memref<100000x1024xf32, #tpu.memory_space<hbm>>) target(%arg13 : memref<16x1024xf32, #tpu.memory_space<vmem>>) offsets(%dma_start3A_75 : memref<16xi32, #tpu.memory_space<vmem>>) semaphore(%arg18 : memref<!tpu.dma_semaphore, #tpu.memory_space<semaphore_mem>>)
    %scan3A = arith.constant 0 : i32
    %scan3A_79 = arith.constant 0 : i32
    %scan3A_80 = arith.constant 16 : i32
    %scan3A_81 = arith.addi %scan3A_79, %scan3A_80 : i32
    %scan3A_82 = arith.constant 1 : i32
    scf.for %scan3A_89 = %scan3A_79 to %scan3A_81 step %scan3A_82  : i32 {
      %mul3A_90 = arith.constant 4 : i32
      %mul3A_91 = arith.muli %mul3A_90, %scan3A_89 : i32
      %add3A_92 = arith.constant 0 : i32
      %add3A_93 = arith.addi %mul3A_91, %add3A_92 : i32
      %mul3A_94 = arith.constant 16 : i32
      %mul3A_95 = arith.muli %add3A_93, %mul3A_94 : i32
      %dma_wait3A_96 = tpu.memref_slice %arg6[%mul3A_95] : memref<1024xi32, #tpu.memory_space<vmem>> -> memref<16xi32, #tpu.memory_space<vmem>>
      %dma_wait3A_97 = arith.constant 0 : i32
      %dma_wait3A_98 = arith.constant 0 : i32
      %dma_wait3A_99 = tpu.memref_slice %arg4[%dma_wait3A_97, %dma_wait3A_98] : memref<100000x1024xf32, #tpu.memory_space<hbm>> -> memref<100000x1024xf32, #tpu.memory_space<hbm>>
      tpu.wait_indirect_dma semaphore(%arg15 : memref<!tpu.dma_semaphore, #tpu.memory_space<semaphore_mem>>) src(%dma_wait3A_99 : memref<100000x1024xf32, #tpu.memory_space<hbm>>) dst(%arg10 : memref<16x1024xf32, #tpu.memory_space<vmem>>)
      %parallel_loop3A_100 = arith.constant 0 : i32
      %parallel_loop3A_101 = arith.constant 64 : i32
      %parallel_loop3A_102 = arith.constant 1 : i32
      scf.for %parallel_loop3A_164 = %parallel_loop3A_100 to %parallel_loop3A_101 step %parallel_loop3A_102  : i32 {
        %parallel_loop3A_165 = arith.constant 16 : i32
        %parallel_loop3A_166 = arith.muli %parallel_loop3A_164, %parallel_loop3A_165 : i32
        %parallel_loop3A_167 = arith.constant 0 : i32
        %parallel_loop3A_168 = arith.index_cast %parallel_loop3A_167 : i32 to index
        %parallel_loop3A_169 = arith.index_cast %parallel_loop3A_166 : i32 to index
        %parallel_loop3A_170 = tpu.vector_load %arg10[%parallel_loop3A_168, %parallel_loop3A_169] {strides = array<i32>} : memref<16x1024xf32, #tpu.memory_space<vmem>>, vector<1x16xf32>,
        %parallel_loop3A_171 = vector.shape_cast %parallel_loop3A_170 : vector<1x16xf32> to vector<16xf32>
        %parallel_loop3A_172 = arith.constant 1 : i32
        %parallel_loop3A_173 = arith.index_cast %parallel_loop3A_172 : i32 to index
        %parallel_loop3A_174 = arith.index_cast %parallel_loop3A_166 : i32 to index
        %parallel_loop3A_175 = tpu.vector_load %arg10[%parallel_loop3A_173, %parallel_loop3A_174] {strides = array<i32>} : memref<16x1024xf32, #tpu.memory_space<vmem>>, vector<1x16xf32>,
        %parallel_loop3A_176 = vector.shape_cast %parallel_loop3A_175 : vector<1x16xf32> to vector<16xf32>
        %parallel_loop3A_177 = arith.constant 2 : i32
        %parallel_loop3A_178 = arith.index_cast %parallel_loop3A_177 : i32 to index
        %parallel_loop3A_179 = arith.index_cast %parallel_loop3A_166 : i32 to index
        %parallel_loop3A_180 = tpu.vector_load %arg10[%parallel_loop3A_178, %parallel_loop3A_179] {strides = array<i32>} : memref<16x1024xf32, #tpu.memory_space<vmem>>, vector<1x16xf32>,
        %parallel_loop3A_181 = vector.shape_cast %parallel_loop3A_180 : vector<1x16xf32> to vector<16xf32>
        %parallel_loop3A_182 = arith.constant 3 : i32
        %parallel_loop3A_183 = arith.index_cast %parallel_loop3A_182 : i32 to index
        %parallel_loop3A_184 = arith.index_cast %parallel_loop3A_166 : i32 to index
        %parallel_loop3A_185 = tpu.vector_load %arg10[%parallel_loop3A_183, %parallel_loop3A_184] {strides = array<i32>} : memref<16x1024xf32, #tpu.memory_space<vmem>>, vector<1x16xf32>,
        %parallel_loop3A_186 = vector.shape_cast %parallel_loop3A_185 : vector<1x16xf32> to vector<16xf32>
        %parallel_loop3A_187 = arith.constant 4 : i32
        %parallel_loop3A_188 = arith.index_cast %parallel_loop3A_187 : i32 to index
        %parallel_loop3A_189 = arith.index_cast %parallel_loop3A_166 : i32 to index
        %parallel_loop3A_190 = tpu.vector_load %arg10[%parallel_loop3A_188, %parallel_loop3A_189] {strides = array<i32>} : memref<16x1024xf32, #tpu.memory_space<vmem>>, vector<1x16xf32>,
        %parallel_loop3A_191 = vector.shape_cast %parallel_loop3A_190 : vector<1x16xf32> to vector<16xf32>
        %parallel_loop3A_192 = arith.constant 5 : i32
        %parallel_loop3A_193 = arith.index_cast %parallel_loop3A_192 : i32 to index
        %parallel_loop3A_194 = arith.index_cast %parallel_loop3A_166 : i32 to index
        %parallel_loop3A_195 = tpu.vector_load %arg10[%parallel_loop3A_193, %parallel_loop3A_194] {strides = array<i32>} : memref<16x1024xf32, #tpu.memory_space<vmem>>, vector<1x16xf32>,
        %parallel_loop3A_196 = vector.shape_cast %parallel_loop3A_195 : vector<1x16xf32> to vector<16xf32>
        %parallel_loop3A_197 = arith.constant 6 : i32
        %parallel_loop3A_198 = arith.index_cast %parallel_loop3A_197 : i32 to index
        %parallel_loop3A_199 = arith.index_cast %parallel_loop3A_166 : i32 to index
        %parallel_loop3A_200 = tpu.vector_load %arg10[%parallel_loop3A_198, %parallel_loop3A_199] {strides = array<i32>} : memref<16x1024xf32, #tpu.memory_space<vmem>>, vector<1x16xf32>,
        %parallel_loop3A_201 = vector.shape_cast %parallel_loop3A_200 : vector<1x16xf32> to vector<16xf32>
        %parallel_loop3A_202 = arith.constant 7 : i32
        %parallel_loop3A_203 = arith.index_cast %parallel_loop3A_202 : i32 to index
        %parallel_loop3A_204 = arith.index_cast %parallel_loop3A_166 : i32 to index
        %parallel_loop3A_205 = tpu.vector_load %arg10[%parallel_loop3A_203, %parallel_loop3A_204] {strides = array<i32>} : memref<16x1024xf32, #tpu.memory_space<vmem>>, vector<1x16xf32>,
        %parallel_loop3A_206 = vector.shape_cast %parallel_loop3A_205 : vector<1x16xf32> to vector<16xf32>
        %parallel_loop3A_207 = arith.constant 8 : i32
        %parallel_loop3A_208 = arith.index_cast %parallel_loop3A_207 : i32 to index
        %parallel_loop3A_209 = arith.index_cast %parallel_loop3A_166 : i32 to index
        %parallel_loop3A_210 = tpu.vector_load %arg10[%parallel_loop3A_208, %parallel_loop3A_209] {strides = array<i32>} : memref<16x1024xf32, #tpu.memory_space<vmem>>, vector<1x16xf32>,
        %parallel_loop3A_211 = vector.shape_cast %parallel_loop3A_210 : vector<1x16xf32> to vector<16xf32>
        %parallel_loop3A_212 = arith.addf %parallel_loop3A_171, %parallel_loop3A_211 : vector<16xf32>
        %parallel_loop3A_213 = arith.constant 9 : i32
        %parallel_loop3A_214 = arith.index_cast %parallel_loop3A_213 : i32 to index
        %parallel_loop3A_215 = arith.index_cast %parallel_loop3A_166 : i32 to index
        %parallel_loop3A_216 = tpu.vector_load %arg10[%parallel_loop3A_214, %parallel_loop3A_215] {strides = array<i32>} : memref<16x1024xf32, #tpu.memory_space<vmem>>, vector<1x16xf32>,
        %parallel_loop3A_217 = vector.shape_cast %parallel_loop3A_216 : vector<1x16xf32> to vector<16xf32>
        %parallel_loop3A_218 = arith.addf %parallel_loop3A_176, %parallel_loop3A_217 : vector<16xf32>
        %parallel_loop3A_219 = arith.constant 10 : i32
        %parallel_loop3A_220 = arith.index_cast %parallel_loop3A_219 : i32 to index
        %parallel_loop3A_221 = arith.index_cast %parallel_loop3A_166 : i32 to index
        %parallel_loop3A_222 = tpu.vector_load %arg10[%parallel_loop3A_220, %parallel_loop3A_221] {strides = array<i32>} : memref<16x1024xf32, #tpu.memory_space<vmem>>, vector<1x16xf32>,
        %parallel_loop3A_223 = vector.shape_cast %parallel_loop3A_222 : vector<1x16xf32> to vector<16xf32>
        %parallel_loop3A_224 = arith.addf %parallel_loop3A_181, %parallel_loop3A_223 : vector<16xf32>
        %parallel_loop3A_225 = arith.constant 11 : i32
        %parallel_loop3A_226 = arith.index_cast %parallel_loop3A_225 : i32 to index
        %parallel_loop3A_227 = arith.index_cast %parallel_loop3A_166 : i32 to index
        %parallel_loop3A_228 = tpu.vector_load %arg10[%parallel_loop3A_226, %parallel_loop3A_227] {strides = array<i32>} : memref<16x1024xf32, #tpu.memory_space<vmem>>, vector<1x16xf32>,
        %parallel_loop3A_229 = vector.shape_cast %parallel_loop3A_228 : vector<1x16xf32> to vector<16xf32>
        %parallel_loop3A_230 = arith.addf %parallel_loop3A_186, %parallel_loop3A_229 : vector<16xf32>
        %parallel_loop3A_231 = arith.constant 12 : i32
        %parallel_loop3A_232 = arith.index_cast %parallel_loop3A_231 : i32 to index
        %parallel_loop3A_233 = arith.index_cast %parallel_loop3A_166 : i32 to index
        %parallel_loop3A_234 = tpu.vector_load %arg10[%parallel_loop3A_232, %parallel_loop3A_233] {strides = array<i32>} : memref<16x1024xf32, #tpu.memory_space<vmem>>, vector<1x16xf32>,
        %parallel_loop3A_235 = vector.shape_cast %parallel_loop3A_234 : vector<1x16xf32> to vector<16xf32>
        %parallel_loop3A_236 = arith.addf %parallel_loop3A_191, %parallel_loop3A_235 : vector<16xf32>
        %parallel_loop3A_237 = arith.constant 13 : i32
        %parallel_loop3A_238 = arith.index_cast %parallel_loop3A_237 : i32 to index
        %parallel_loop3A_239 = arith.index_cast %parallel_loop3A_166 : i32 to index
        %parallel_loop3A_240 = tpu.vector_load %arg10[%parallel_loop3A_238, %parallel_loop3A_239] {strides = array<i32>} : memref<16x1024xf32, #tpu.memory_space<vmem>>, vector<1x16xf32>,
        %parallel_loop3A_241 = vector.shape_cast %parallel_loop3A_240 : vector<1x16xf32> to vector<16xf32>
        %parallel_loop3A_242 = arith.addf %parallel_loop3A_196, %parallel_loop3A_241 : vector<16xf32>
        %parallel_loop3A_243 = arith.constant 14 : i32
        %parallel_loop3A_244 = arith.index_cast %parallel_loop3A_243 : i32 to index
        %parallel_loop3A_245 = arith.index_cast %parallel_loop3A_166 : i32 to index
        %parallel_loop3A_246 = tpu.vector_load %arg10[%parallel_loop3A_244, %parallel_loop3A_245] {strides = array<i32>} : memref<16x1024xf32, #tpu.memory_space<vmem>>, vector<1x16xf32>,
        %parallel_loop3A_247 = vector.shape_cast %parallel_loop3A_246 : vector<1x16xf32> to vector<16xf32>
        %parallel_loop3A_248 = arith.addf %parallel_loop3A_201, %parallel_loop3A_247 : vector<16xf32>
        %parallel_loop3A_249 = arith.constant 15 : i32
        %parallel_loop3A_250 = arith.index_cast %parallel_loop3A_249 : i32 to index
        %parallel_loop3A_251 = arith.index_cast %parallel_loop3A_166 : i32 to index
        %parallel_loop3A_252 = tpu.vector_load %arg10[%parallel_loop3A_250, %parallel_loop3A_251] {strides = array<i32>} : memref<16x1024xf32, #tpu.memory_space<vmem>>, vector<1x16xf32>,
        %parallel_loop3A_253 = vector.shape_cast %parallel_loop3A_252 : vector<1x16xf32> to vector<16xf32>
        %parallel_loop3A_254 = arith.addf %parallel_loop3A_206, %parallel_loop3A_253 : vector<16xf32>
        %parallel_loop3A_255 = arith.addf %parallel_loop3A_212, %parallel_loop3A_218 : vector<16xf32>
        %parallel_loop3A_256 = arith.addf %parallel_loop3A_224, %parallel_loop3A_230 : vector<16xf32>
        %parallel_loop3A_257 = arith.addf %parallel_loop3A_255, %parallel_loop3A_256 : vector<16xf32>
        %parallel_loop3A_258 = arith.addf %parallel_loop3A_236, %parallel_loop3A_242 : vector<16xf32>
        %parallel_loop3A_259 = arith.addf %parallel_loop3A_248, %parallel_loop3A_254 : vector<16xf32>
        %parallel_loop3A_260 = arith.addf %parallel_loop3A_258, %parallel_loop3A_259 : vector<16xf32>
        %parallel_loop3A_261 = arith.addf %parallel_loop3A_257, %parallel_loop3A_260 : vector<16xf32>
        %parallel_loop3A_262 = arith.constant 0 : i32
        %parallel_loop3A_263 = arith.index_cast %parallel_loop3A_262 : i32 to index
        %parallel_loop3A_264 = arith.index_cast %parallel_loop3A_166 : i32 to index
        %parallel_loop3A_265 = tpu.vector_load %arg14[%parallel_loop3A_263, %parallel_loop3A_264] {strides = array<i32>} : memref<1x1024xf32, #tpu.memory_space<vmem>>, vector<1x16xf32>,
        %parallel_loop3A_266 = vector.shape_cast %parallel_loop3A_265 : vector<1x16xf32> to vector<16xf32>
        %parallel_loop3A_267 = vector.shape_cast %parallel_loop3A_261 : vector<16xf32> to vector<1x16xf32>
        tpu.vector_store %arg14[%parallel_loop3A_263, %parallel_loop3A_264], %parallel_loop3A_267 {add = true, strides = array<i32>} : memref<1x1024xf32, #tpu.memory_space<vmem>>, vector<1x16xf32>,
      } {sc.loop_unroll_factor = 2 : i64, sc.parallel_access}
      %add3A_103 = arith.constant 4 : i32
      %add3A_104 = arith.addi %add3A_93, %add3A_103 : i32
      %lt3A_105 = arith.constant 64 : i32
      %lt3A_106 = arith.cmpi slt, %add3A_104, %lt3A_105 : i32
      %convert_element_type3A_107 = arith.extui %lt3A_106 : i1 to i32
      %cond3A_108 = arith.constant 0 : i32
      %cond3A_109 = arith.cmpi ne, %convert_element_type3A_107, %cond3A_108 : i32
      scf.if %cond3A_109 {
        %add3A_164 = arith.constant 4 : i32
        %add3A_165 = arith.addi %add3A_93, %add3A_164 : i32
        %mul3A_166 = arith.constant 16 : i32
        %mul3A_167 = arith.muli %add3A_165, %mul3A_166 : i32
        %dma_start3A_168 = tpu.memref_slice %arg6[%mul3A_167] : memref<1024xi32, #tpu.memory_space<vmem>> -> memref<16xi32, #tpu.memory_space<vmem>>
        %dma_start3A_169 = arith.constant 0 : i32
        %dma_start3A_170 = arith.constant 0 : i32
        %dma_start3A_171 = tpu.memref_slice %arg4[%dma_start3A_169, %dma_start3A_170] : memref<100000x1024xf32, #tpu.memory_space<hbm>> -> memref<100000x1024xf32, #tpu.memory_space<hbm>>
        tpu.enqueue_indirect_dma source(%dma_start3A_171 : memref<100000x1024xf32, #tpu.memory_space<hbm>>) target(%arg10 : memref<16x1024xf32, #tpu.memory_space<vmem>>) offsets(%dma_start3A_168 : memref<16xi32, #tpu.memory_space<vmem>>) semaphore(%arg15 : memref<!tpu.dma_semaphore, #tpu.memory_space<semaphore_mem>>)
      } else {
      }
      %add3A_110 = arith.constant 1 : i32
      %add3A_111 = arith.addi %mul3A_91, %add3A_110 : i32
      %mul3A_112 = arith.constant 16 : i32
      %mul3A_113 = arith.muli %add3A_111, %mul3A_112 : i32
      %dma_wait3A_114 = tpu.memref_slice %arg6[%mul3A_113] : memref<1024xi32, #tpu.memory_space<vmem>> -> memref<16xi32, #tpu.memory_space<vmem>>
      %dma_wait3A_115 = arith.constant 0 : i32
      %dma_wait3A_116 = arith.constant 0 : i32
      %dma_wait3A_117 = tpu.memref_slice %arg4[%dma_wait3A_115, %dma_wait3A_116] : memref<100000x1024xf32, #tpu.memory_space<hbm>> -> memref<100000x1024xf32, #tpu.memory_space<hbm>>
      tpu.wait_indirect_dma semaphore(%arg16 : memref<!tpu.dma_semaphore, #tpu.memory_space<semaphore_mem>>) src(%dma_wait3A_117 : memref<100000x1024xf32, #tpu.memory_space<hbm>>) dst(%arg11 : memref<16x1024xf32, #tpu.memory_space<vmem>>)
      %parallel_loop3A_118 = arith.constant 0 : i32
      %parallel_loop3A_119 = arith.constant 64 : i32
      %parallel_loop3A_120 = arith.constant 1 : i32
      scf.for %parallel_loop3A_164 = %parallel_loop3A_118 to %parallel_loop3A_119 step %parallel_loop3A_120  : i32 {
        %parallel_loop3A_165 = arith.constant 16 : i32
        %parallel_loop3A_166 = arith.muli %parallel_loop3A_164, %parallel_loop3A_165 : i32
        %parallel_loop3A_167 = arith.constant 0 : i32
        %parallel_loop3A_168 = arith.index_cast %parallel_loop3A_167 : i32 to index
        %parallel_loop3A_169 = arith.index_cast %parallel_loop3A_166 : i32 to index
        %parallel_loop3A_170 = tpu.vector_load %arg11[%parallel_loop3A_168, %parallel_loop3A_169] {strides = array<i32>} : memref<16x1024xf32, #tpu.memory_space<vmem>>, vector<1x16xf32>,
        %parallel_loop3A_171 = vector.shape_cast %parallel_loop3A_170 : vector<1x16xf32> to vector<16xf32>
        %parallel_loop3A_172 = arith.constant 1 : i32
        %parallel_loop3A_173 = arith.index_cast %parallel_loop3A_172 : i32 to index
        %parallel_loop3A_174 = arith.index_cast %parallel_loop3A_166 : i32 to index
        %parallel_loop3A_175 = tpu.vector_load %arg11[%parallel_loop3A_173, %parallel_loop3A_174] {strides = array<i32>} : memref<16x1024xf32, #tpu.memory_space<vmem>>, vector<1x16xf32>,
        %parallel_loop3A_176 = vector.shape_cast %parallel_loop3A_175 : vector<1x16xf32> to vector<16xf32>
        %parallel_loop3A_177 = arith.constant 2 : i32
        %parallel_loop3A_178 = arith.index_cast %parallel_loop3A_177 : i32 to index
        %parallel_loop3A_179 = arith.index_cast %parallel_loop3A_166 : i32 to index
        %parallel_loop3A_180 = tpu.vector_load %arg11[%parallel_loop3A_178, %parallel_loop3A_179] {strides = array<i32>} : memref<16x1024xf32, #tpu.memory_space<vmem>>, vector<1x16xf32>,
        %parallel_loop3A_181 = vector.shape_cast %parallel_loop3A_180 : vector<1x16xf32> to vector<16xf32>
        %parallel_loop3A_182 = arith.constant 3 : i32
        %parallel_loop3A_183 = arith.index_cast %parallel_loop3A_182 : i32 to index
        %parallel_loop3A_184 = arith.index_cast %parallel_loop3A_166 : i32 to index
        %parallel_loop3A_185 = tpu.vector_load %arg11[%parallel_loop3A_183, %parallel_loop3A_184] {strides = array<i32>} : memref<16x1024xf32, #tpu.memory_space<vmem>>, vector<1x16xf32>,
        %parallel_loop3A_186 = vector.shape_cast %parallel_loop3A_185 : vector<1x16xf32> to vector<16xf32>
        %parallel_loop3A_187 = arith.constant 4 : i32
        %parallel_loop3A_188 = arith.index_cast %parallel_loop3A_187 : i32 to index
        %parallel_loop3A_189 = arith.index_cast %parallel_loop3A_166 : i32 to index
        %parallel_loop3A_190 = tpu.vector_load %arg11[%parallel_loop3A_188, %parallel_loop3A_189] {strides = array<i32>} : memref<16x1024xf32, #tpu.memory_space<vmem>>, vector<1x16xf32>,
        %parallel_loop3A_191 = vector.shape_cast %parallel_loop3A_190 : vector<1x16xf32> to vector<16xf32>
        %parallel_loop3A_192 = arith.constant 5 : i32
        %parallel_loop3A_193 = arith.index_cast %parallel_loop3A_192 : i32 to index
        %parallel_loop3A_194 = arith.index_cast %parallel_loop3A_166 : i32 to index
        %parallel_loop3A_195 = tpu.vector_load %arg11[%parallel_loop3A_193, %parallel_loop3A_194] {strides = array<i32>} : memref<16x1024xf32, #tpu.memory_space<vmem>>, vector<1x16xf32>,
        %parallel_loop3A_196 = vector.shape_cast %parallel_loop3A_195 : vector<1x16xf32> to vector<16xf32>
        %parallel_loop3A_197 = arith.constant 6 : i32
        %parallel_loop3A_198 = arith.index_cast %parallel_loop3A_197 : i32 to index
        %parallel_loop3A_199 = arith.index_cast %parallel_loop3A_166 : i32 to index
        %parallel_loop3A_200 = tpu.vector_load %arg11[%parallel_loop3A_198, %parallel_loop3A_199] {strides = array<i32>} : memref<16x1024xf32, #tpu.memory_space<vmem>>, vector<1x16xf32>,
        %parallel_loop3A_201 = vector.shape_cast %parallel_loop3A_200 : vector<1x16xf32> to vector<16xf32>
        %parallel_loop3A_202 = arith.constant 7 : i32
        %parallel_loop3A_203 = arith.index_cast %parallel_loop3A_202 : i32 to index
        %parallel_loop3A_204 = arith.index_cast %parallel_loop3A_166 : i32 to index
        %parallel_loop3A_205 = tpu.vector_load %arg11[%parallel_loop3A_203, %parallel_loop3A_204] {strides = array<i32>} : memref<16x1024xf32, #tpu.memory_space<vmem>>, vector<1x16xf32>,
        %parallel_loop3A_206 = vector.shape_cast %parallel_loop3A_205 : vector<1x16xf32> to vector<16xf32>
        %parallel_loop3A_207 = arith.constant 8 : i32
        %parallel_loop3A_208 = arith.index_cast %parallel_loop3A_207 : i32 to index
        %parallel_loop3A_209 = arith.index_cast %parallel_loop3A_166 : i32 to index
        %parallel_loop3A_210 = tpu.vector_load %arg11[%parallel_loop3A_208, %parallel_loop3A_209] {strides = array<i32>} : memref<16x1024xf32, #tpu.memory_space<vmem>>, vector<1x16xf32>,
        %parallel_loop3A_211 = vector.shape_cast %parallel_loop3A_210 : vector<1x16xf32> to vector<16xf32>
        %parallel_loop3A_212 = arith.addf %parallel_loop3A_171, %parallel_loop3A_211 : vector<16xf32>
        %parallel_loop3A_213 = arith.constant 9 : i32
        %parallel_loop3A_214 = arith.index_cast %parallel_loop3A_213 : i32 to index
        %parallel_loop3A_215 = arith.index_cast %parallel_loop3A_166 : i32 to index
        %parallel_loop3A_216 = tpu.vector_load %arg11[%parallel_loop3A_214, %parallel_loop3A_215] {strides = array<i32>} : memref<16x1024xf32, #tpu.memory_space<vmem>>, vector<1x16xf32>,
        %parallel_loop3A_217 = vector.shape_cast %parallel_loop3A_216 : vector<1x16xf32> to vector<16xf32>
        %parallel_loop3A_218 = arith.addf %parallel_loop3A_176, %parallel_loop3A_217 : vector<16xf32>
        %parallel_loop3A_219 = arith.constant 10 : i32
        %parallel_loop3A_220 = arith.index_cast %parallel_loop3A_219 : i32 to index
        %parallel_loop3A_221 = arith.index_cast %parallel_loop3A_166 : i32 to index
        %parallel_loop3A_222 = tpu.vector_load %arg11[%parallel_loop3A_220, %parallel_loop3A_221] {strides = array<i32>} : memref<16x1024xf32, #tpu.memory_space<vmem>>, vector<1x16xf32>,
        %parallel_loop3A_223 = vector.shape_cast %parallel_loop3A_222 : vector<1x16xf32> to vector<16xf32>
        %parallel_loop3A_224 = arith.addf %parallel_loop3A_181, %parallel_loop3A_223 : vector<16xf32>
        %parallel_loop3A_225 = arith.constant 11 : i32
        %parallel_loop3A_226 = arith.index_cast %parallel_loop3A_225 : i32 to index
        %parallel_loop3A_227 = arith.index_cast %parallel_loop3A_166 : i32 to index
        %parallel_loop3A_228 = tpu.vector_load %arg11[%parallel_loop3A_226, %parallel_loop3A_227] {strides = array<i32>} : memref<16x1024xf32, #tpu.memory_space<vmem>>, vector<1x16xf32>,
        %parallel_loop3A_229 = vector.shape_cast %parallel_loop3A_228 : vector<1x16xf32> to vector<16xf32>
        %parallel_loop3A_230 = arith.addf %parallel_loop3A_186, %parallel_loop3A_229 : vector<16xf32>
        %parallel_loop3A_231 = arith.constant 12 : i32
        %parallel_loop3A_232 = arith.index_cast %parallel_loop3A_231 : i32 to index
        %parallel_loop3A_233 = arith.index_cast %parallel_loop3A_166 : i32 to index
        %parallel_loop3A_234 = tpu.vector_load %arg11[%parallel_loop3A_232, %parallel_loop3A_233] {strides = array<i32>} : memref<16x1024xf32, #tpu.memory_space<vmem>>, vector<1x16xf32>,
        %parallel_loop3A_235 = vector.shape_cast %parallel_loop3A_234 : vector<1x16xf32> to vector<16xf32>
        %parallel_loop3A_236 = arith.addf %parallel_loop3A_191, %parallel_loop3A_235 : vector<16xf32>
        %parallel_loop3A_237 = arith.constant 13 : i32
        %parallel_loop3A_238 = arith.index_cast %parallel_loop3A_237 : i32 to index
        %parallel_loop3A_239 = arith.index_cast %parallel_loop3A_166 : i32 to index
        %parallel_loop3A_240 = tpu.vector_load %arg11[%parallel_loop3A_238, %parallel_loop3A_239] {strides = array<i32>} : memref<16x1024xf32, #tpu.memory_space<vmem>>, vector<1x16xf32>,
        %parallel_loop3A_241 = vector.shape_cast %parallel_loop3A_240 : vector<1x16xf32> to vector<16xf32>
        %parallel_loop3A_242 = arith.addf %parallel_loop3A_196, %parallel_loop3A_241 : vector<16xf32>
        %parallel_loop3A_243 = arith.constant 14 : i32
        %parallel_loop3A_244 = arith.index_cast %parallel_loop3A_243 : i32 to index
        %parallel_loop3A_245 = arith.index_cast %parallel_loop3A_166 : i32 to index
        %parallel_loop3A_246 = tpu.vector_load %arg11[%parallel_loop3A_244, %parallel_loop3A_245] {strides = array<i32>} : memref<16x1024xf32, #tpu.memory_space<vmem>>, vector<1x16xf32>,
        %parallel_loop3A_247 = vector.shape_cast %parallel_loop3A_246 : vector<1x16xf32> to vector<16xf32>
        %parallel_loop3A_248 = arith.addf %parallel_loop3A_201, %parallel_loop3A_247 : vector<16xf32>
        %parallel_loop3A_249 = arith.constant 15 : i32
        %parallel_loop3A_250 = arith.index_cast %parallel_loop3A_249 : i32 to index
        %parallel_loop3A_251 = arith.index_cast %parallel_loop3A_166 : i32 to index
        %parallel_loop3A_252 = tpu.vector_load %arg11[%parallel_loop3A_250, %parallel_loop3A_251] {strides = array<i32>} : memref<16x1024xf32, #tpu.memory_space<vmem>>, vector<1x16xf32>,
        %parallel_loop3A_253 = vector.shape_cast %parallel_loop3A_252 : vector<1x16xf32> to vector<16xf32>
        %parallel_loop3A_254 = arith.addf %parallel_loop3A_206, %parallel_loop3A_253 : vector<16xf32>
        %parallel_loop3A_255 = arith.addf %parallel_loop3A_212, %parallel_loop3A_218 : vector<16xf32>
        %parallel_loop3A_256 = arith.addf %parallel_loop3A_224, %parallel_loop3A_230 : vector<16xf32>
        %parallel_loop3A_257 = arith.addf %parallel_loop3A_255, %parallel_loop3A_256 : vector<16xf32>
        %parallel_loop3A_258 = arith.addf %parallel_loop3A_236, %parallel_loop3A_242 : vector<16xf32>
        %parallel_loop3A_259 = arith.addf %parallel_loop3A_248, %parallel_loop3A_254 : vector<16xf32>
        %parallel_loop3A_260 = arith.addf %parallel_loop3A_258, %parallel_loop3A_259 : vector<16xf32>
        %parallel_loop3A_261 = arith.addf %parallel_loop3A_257, %parallel_loop3A_260 : vector<16xf32>
        %parallel_loop3A_262 = arith.constant 0 : i32
        %parallel_loop3A_263 = arith.index_cast %parallel_loop3A_262 : i32 to index
        %parallel_loop3A_264 = arith.index_cast %parallel_loop3A_166 : i32 to index
        %parallel_loop3A_265 = tpu.vector_load %arg14[%parallel_loop3A_263, %parallel_loop3A_264] {strides = array<i32>} : memref<1x1024xf32, #tpu.memory_space<vmem>>, vector<1x16xf32>,
        %parallel_loop3A_266 = vector.shape_cast %parallel_loop3A_265 : vector<1x16xf32> to vector<16xf32>
        %parallel_loop3A_267 = vector.shape_cast %parallel_loop3A_261 : vector<16xf32> to vector<1x16xf32>
        tpu.vector_store %arg14[%parallel_loop3A_263, %parallel_loop3A_264], %parallel_loop3A_267 {add = true, strides = array<i32>} : memref<1x1024xf32, #tpu.memory_space<vmem>>, vector<1x16xf32>,
      } {sc.loop_unroll_factor = 2 : i64, sc.parallel_access}
      %add3A_121 = arith.constant 4 : i32
      %add3A_122 = arith.addi %add3A_111, %add3A_121 : i32
      %lt3A_123 = arith.constant 64 : i32
      %lt3A_124 = arith.cmpi slt, %add3A_122, %lt3A_123 : i32
      %convert_element_type3A_125 = arith.extui %lt3A_124 : i1 to i32
      %cond3A_126 = arith.constant 0 : i32
      %cond3A_127 = arith.cmpi ne, %convert_element_type3A_125, %cond3A_126 : i32
      scf.if %cond3A_127 {
        %add3A_164 = arith.constant 4 : i32
        %add3A_165 = arith.addi %add3A_111, %add3A_164 : i32
        %mul3A_166 = arith.constant 16 : i32
        %mul3A_167 = arith.muli %add3A_165, %mul3A_166 : i32
        %dma_start3A_168 = tpu.memref_slice %arg6[%mul3A_167] : memref<1024xi32, #tpu.memory_space<vmem>> -> memref<16xi32, #tpu.memory_space<vmem>>
        %dma_start3A_169 = arith.constant 0 : i32
        %dma_start3A_170 = arith.constant 0 : i32
        %dma_start3A_171 = tpu.memref_slice %arg4[%dma_start3A_169, %dma_start3A_170] : memref<100000x1024xf32, #tpu.memory_space<hbm>> -> memref<100000x1024xf32, #tpu.memory_space<hbm>>
        tpu.enqueue_indirect_dma source(%dma_start3A_171 : memref<100000x1024xf32, #tpu.memory_space<hbm>>) target(%arg11 : memref<16x1024xf32, #tpu.memory_space<vmem>>) offsets(%dma_start3A_168 : memref<16xi32, #tpu.memory_space<vmem>>) semaphore(%arg16 : memref<!tpu.dma_semaphore, #tpu.memory_space<semaphore_mem>>)
      } else {
      }
      %add3A_128 = arith.constant 2 : i32
      %add3A_129 = arith.addi %mul3A_91, %add3A_128 : i32
      %mul3A_130 = arith.constant 16 : i32
      %mul3A_131 = arith.muli %add3A_129, %mul3A_130 : i32
      %dma_wait3A_132 = tpu.memref_slice %arg6[%mul3A_131] : memref<1024xi32, #tpu.memory_space<vmem>> -> memref<16xi32, #tpu.memory_space<vmem>>
      %dma_wait3A_133 = arith.constant 0 : i32
      %dma_wait3A_134 = arith.constant 0 : i32
      %dma_wait3A_135 = tpu.memref_slice %arg4[%dma_wait3A_133, %dma_wait3A_134] : memref<100000x1024xf32, #tpu.memory_space<hbm>> -> memref<100000x1024xf32, #tpu.memory_space<hbm>>
      tpu.wait_indirect_dma semaphore(%arg17 : memref<!tpu.dma_semaphore, #tpu.memory_space<semaphore_mem>>) src(%dma_wait3A_135 : memref<100000x1024xf32, #tpu.memory_space<hbm>>) dst(%arg12 : memref<16x1024xf32, #tpu.memory_space<vmem>>)
      %parallel_loop3A_136 = arith.constant 0 : i32
      %parallel_loop3A_137 = arith.constant 64 : i32
      %parallel_loop3A_138 = arith.constant 1 : i32
      scf.for %parallel_loop3A_164 = %parallel_loop3A_136 to %parallel_loop3A_137 step %parallel_loop3A_138  : i32 {
        %parallel_loop3A_165 = arith.constant 16 : i32
        %parallel_loop3A_166 = arith.muli %parallel_loop3A_164, %parallel_loop3A_165 : i32
        %parallel_loop3A_167 = arith.constant 0 : i32
        %parallel_loop3A_168 = arith.index_cast %parallel_loop3A_167 : i32 to index
        %parallel_loop3A_169 = arith.index_cast %parallel_loop3A_166 : i32 to index
        %parallel_loop3A_170 = tpu.vector_load %arg12[%parallel_loop3A_168, %parallel_loop3A_169] {strides = array<i32>} : memref<16x1024xf32, #tpu.memory_space<vmem>>, vector<1x16xf32>,
        %parallel_loop3A_171 = vector.shape_cast %parallel_loop3A_170 : vector<1x16xf32> to vector<16xf32>
        %parallel_loop3A_172 = arith.constant 1 : i32
        %parallel_loop3A_173 = arith.index_cast %parallel_loop3A_172 : i32 to index
        %parallel_loop3A_174 = arith.index_cast %parallel_loop3A_166 : i32 to index
        %parallel_loop3A_175 = tpu.vector_load %arg12[%parallel_loop3A_173, %parallel_loop3A_174] {strides = array<i32>} : memref<16x1024xf32, #tpu.memory_space<vmem>>, vector<1x16xf32>,
        %parallel_loop3A_176 = vector.shape_cast %parallel_loop3A_175 : vector<1x16xf32> to vector<16xf32>
        %parallel_loop3A_177 = arith.constant 2 : i32
        %parallel_loop3A_178 = arith.index_cast %parallel_loop3A_177 : i32 to index
        %parallel_loop3A_179 = arith.index_cast %parallel_loop3A_166 : i32 to index
        %parallel_loop3A_180 = tpu.vector_load %arg12[%parallel_loop3A_178, %parallel_loop3A_179] {strides = array<i32>} : memref<16x1024xf32, #tpu.memory_space<vmem>>, vector<1x16xf32>,
        %parallel_loop3A_181 = vector.shape_cast %parallel_loop3A_180 : vector<1x16xf32> to vector<16xf32>
        %parallel_loop3A_182 = arith.constant 3 : i32
        %parallel_loop3A_183 = arith.index_cast %parallel_loop3A_182 : i32 to index
        %parallel_loop3A_184 = arith.index_cast %parallel_loop3A_166 : i32 to index
        %parallel_loop3A_185 = tpu.vector_load %arg12[%parallel_loop3A_183, %parallel_loop3A_184] {strides = array<i32>} : memref<16x1024xf32, #tpu.memory_space<vmem>>, vector<1x16xf32>,
        %parallel_loop3A_186 = vector.shape_cast %parallel_loop3A_185 : vector<1x16xf32> to vector<16xf32>
        %parallel_loop3A_187 = arith.constant 4 : i32
        %parallel_loop3A_188 = arith.index_cast %parallel_loop3A_187 : i32 to index
        %parallel_loop3A_189 = arith.index_cast %parallel_loop3A_166 : i32 to index
        %parallel_loop3A_190 = tpu.vector_load %arg12[%parallel_loop3A_188, %parallel_loop3A_189] {strides = array<i32>} : memref<16x1024xf32, #tpu.memory_space<vmem>>, vector<1x16xf32>,
        %parallel_loop3A_191 = vector.shape_cast %parallel_loop3A_190 : vector<1x16xf32> to vector<16xf32>
        %parallel_loop3A_192 = arith.constant 5 : i32
        %parallel_loop3A_193 = arith.index_cast %parallel_loop3A_192 : i32 to index
        %parallel_loop3A_194 = arith.index_cast %parallel_loop3A_166 : i32 to index
        %parallel_loop3A_195 = tpu.vector_load %arg12[%parallel_loop3A_193, %parallel_loop3A_194] {strides = array<i32>} : memref<16x1024xf32, #tpu.memory_space<vmem>>, vector<1x16xf32>,
        %parallel_loop3A_196 = vector.shape_cast %parallel_loop3A_195 : vector<1x16xf32> to vector<16xf32>
        %parallel_loop3A_197 = arith.constant 6 : i32
        %parallel_loop3A_198 = arith.index_cast %parallel_loop3A_197 : i32 to index
        %parallel_loop3A_199 = arith.index_cast %parallel_loop3A_166 : i32 to index
        %parallel_loop3A_200 = tpu.vector_load %arg12[%parallel_loop3A_198, %parallel_loop3A_199] {strides = array<i32>} : memref<16x1024xf32, #tpu.memory_space<vmem>>, vector<1x16xf32>,
        %parallel_loop3A_201 = vector.shape_cast %parallel_loop3A_200 : vector<1x16xf32> to vector<16xf32>
        %parallel_loop3A_202 = arith.constant 7 : i32
        %parallel_loop3A_203 = arith.index_cast %parallel_loop3A_202 : i32 to index
        %parallel_loop3A_204 = arith.index_cast %parallel_loop3A_166 : i32 to index
        %parallel_loop3A_205 = tpu.vector_load %arg12[%parallel_loop3A_203, %parallel_loop3A_204] {strides = array<i32>} : memref<16x1024xf32, #tpu.memory_space<vmem>>, vector<1x16xf32>,
        %parallel_loop3A_206 = vector.shape_cast %parallel_loop3A_205 : vector<1x16xf32> to vector<16xf32>
        %parallel_loop3A_207 = arith.constant 8 : i32
        %parallel_loop3A_208 = arith.index_cast %parallel_loop3A_207 : i32 to index
        %parallel_loop3A_209 = arith.index_cast %parallel_loop3A_166 : i32 to index
        %parallel_loop3A_210 = tpu.vector_load %arg12[%parallel_loop3A_208, %parallel_loop3A_209] {strides = array<i32>} : memref<16x1024xf32, #tpu.memory_space<vmem>>, vector<1x16xf32>,
        %parallel_loop3A_211 = vector.shape_cast %parallel_loop3A_210 : vector<1x16xf32> to vector<16xf32>
        %parallel_loop3A_212 = arith.addf %parallel_loop3A_171, %parallel_loop3A_211 : vector<16xf32>
        %parallel_loop3A_213 = arith.constant 9 : i32
        %parallel_loop3A_214 = arith.index_cast %parallel_loop3A_213 : i32 to index
        %parallel_loop3A_215 = arith.index_cast %parallel_loop3A_166 : i32 to index
        %parallel_loop3A_216 = tpu.vector_load %arg12[%parallel_loop3A_214, %parallel_loop3A_215] {strides = array<i32>} : memref<16x1024xf32, #tpu.memory_space<vmem>>, vector<1x16xf32>,
        %parallel_loop3A_217 = vector.shape_cast %parallel_loop3A_216 : vector<1x16xf32> to vector<16xf32>
        %parallel_loop3A_218 = arith.addf %parallel_loop3A_176, %parallel_loop3A_217 : vector<16xf32>
        %parallel_loop3A_219 = arith.constant 10 : i32
        %parallel_loop3A_220 = arith.index_cast %parallel_loop3A_219 : i32 to index
        %parallel_loop3A_221 = arith.index_cast %parallel_loop3A_166 : i32 to index
        %parallel_loop3A_222 = tpu.vector_load %arg12[%parallel_loop3A_220, %parallel_loop3A_221] {strides = array<i32>} : memref<16x1024xf32, #tpu.memory_space<vmem>>, vector<1x16xf32>,
        %parallel_loop3A_223 = vector.shape_cast %parallel_loop3A_222 : vector<1x16xf32> to vector<16xf32>
        %parallel_loop3A_224 = arith.addf %parallel_loop3A_181, %parallel_loop3A_223 : vector<16xf32>
        %parallel_loop3A_225 = arith.constant 11 : i32
        %parallel_loop3A_226 = arith.index_cast %parallel_loop3A_225 : i32 to index
        %parallel_loop3A_227 = arith.index_cast %parallel_loop3A_166 : i32 to index
        %parallel_loop3A_228 = tpu.vector_load %arg12[%parallel_loop3A_226, %parallel_loop3A_227] {strides = array<i32>} : memref<16x1024xf32, #tpu.memory_space<vmem>>, vector<1x16xf32>,
        %parallel_loop3A_229 = vector.shape_cast %parallel_loop3A_228 : vector<1x16xf32> to vector<16xf32>
        %parallel_loop3A_230 = arith.addf %parallel_loop3A_186, %parallel_loop3A_229 : vector<16xf32>
        %parallel_loop3A_231 = arith.constant 12 : i32
        %parallel_loop3A_232 = arith.index_cast %parallel_loop3A_231 : i32 to index
        %parallel_loop3A_233 = arith.index_cast %parallel_loop3A_166 : i32 to index
        %parallel_loop3A_234 = tpu.vector_load %arg12[%parallel_loop3A_232, %parallel_loop3A_233] {strides = array<i32>} : memref<16x1024xf32, #tpu.memory_space<vmem>>, vector<1x16xf32>,
        %parallel_loop3A_235 = vector.shape_cast %parallel_loop3A_234 : vector<1x16xf32> to vector<16xf32>
        %parallel_loop3A_236 = arith.addf %parallel_loop3A_191, %parallel_loop3A_235 : vector<16xf32>
        %parallel_loop3A_237 = arith.constant 13 : i32
        %parallel_loop3A_238 = arith.index_cast %parallel_loop3A_237 : i32 to index
        %parallel_loop3A_239 = arith.index_cast %parallel_loop3A_166 : i32 to index
        %parallel_loop3A_240 = tpu.vector_load %arg12[%parallel_loop3A_238, %parallel_loop3A_239] {strides = array<i32>} : memref<16x1024xf32, #tpu.memory_space<vmem>>, vector<1x16xf32>,
        %parallel_loop3A_241 = vector.shape_cast %parallel_loop3A_240 : vector<1x16xf32> to vector<16xf32>
        %parallel_loop3A_242 = arith.addf %parallel_loop3A_196, %parallel_loop3A_241 : vector<16xf32>
        %parallel_loop3A_243 = arith.constant 14 : i32
        %parallel_loop3A_244 = arith.index_cast %parallel_loop3A_243 : i32 to index
        %parallel_loop3A_245 = arith.index_cast %parallel_loop3A_166 : i32 to index
        %parallel_loop3A_246 = tpu.vector_load %arg12[%parallel_loop3A_244, %parallel_loop3A_245] {strides = array<i32>} : memref<16x1024xf32, #tpu.memory_space<vmem>>, vector<1x16xf32>,
        %parallel_loop3A_247 = vector.shape_cast %parallel_loop3A_246 : vector<1x16xf32> to vector<16xf32>
        %parallel_loop3A_248 = arith.addf %parallel_loop3A_201, %parallel_loop3A_247 : vector<16xf32>
        %parallel_loop3A_249 = arith.constant 15 : i32
        %parallel_loop3A_250 = arith.index_cast %parallel_loop3A_249 : i32 to index
        %parallel_loop3A_251 = arith.index_cast %parallel_loop3A_166 : i32 to index
        %parallel_loop3A_252 = tpu.vector_load %arg12[%parallel_loop3A_250, %parallel_loop3A_251] {strides = array<i32>} : memref<16x1024xf32, #tpu.memory_space<vmem>>, vector<1x16xf32>,
        %parallel_loop3A_253 = vector.shape_cast %parallel_loop3A_252 : vector<1x16xf32> to vector<16xf32>
        %parallel_loop3A_254 = arith.addf %parallel_loop3A_206, %parallel_loop3A_253 : vector<16xf32>
        %parallel_loop3A_255 = arith.addf %parallel_loop3A_212, %parallel_loop3A_218 : vector<16xf32>
        %parallel_loop3A_256 = arith.addf %parallel_loop3A_224, %parallel_loop3A_230 : vector<16xf32>
        %parallel_loop3A_257 = arith.addf %parallel_loop3A_255, %parallel_loop3A_256 : vector<16xf32>
        %parallel_loop3A_258 = arith.addf %parallel_loop3A_236, %parallel_loop3A_242 : vector<16xf32>
        %parallel_loop3A_259 = arith.addf %parallel_loop3A_248, %parallel_loop3A_254 : vector<16xf32>
        %parallel_loop3A_260 = arith.addf %parallel_loop3A_258, %parallel_loop3A_259 : vector<16xf32>
        %parallel_loop3A_261 = arith.addf %parallel_loop3A_257, %parallel_loop3A_260 : vector<16xf32>
        %parallel_loop3A_262 = arith.constant 0 : i32
        %parallel_loop3A_263 = arith.index_cast %parallel_loop3A_262 : i32 to index
        %parallel_loop3A_264 = arith.index_cast %parallel_loop3A_166 : i32 to index
        %parallel_loop3A_265 = tpu.vector_load %arg14[%parallel_loop3A_263, %parallel_loop3A_264] {strides = array<i32>} : memref<1x1024xf32, #tpu.memory_space<vmem>>, vector<1x16xf32>,
        %parallel_loop3A_266 = vector.shape_cast %parallel_loop3A_265 : vector<1x16xf32> to vector<16xf32>
        %parallel_loop3A_267 = vector.shape_cast %parallel_loop3A_261 : vector<16xf32> to vector<1x16xf32>
        tpu.vector_store %arg14[%parallel_loop3A_263, %parallel_loop3A_264], %parallel_loop3A_267 {add = true, strides = array<i32>} : memref<1x1024xf32, #tpu.memory_space<vmem>>, vector<1x16xf32>,
      } {sc.loop_unroll_factor = 2 : i64, sc.parallel_access}
      %add3A_139 = arith.constant 4 : i32
      %add3A_140 = arith.addi %add3A_129, %add3A_139 : i32
      %lt3A_141 = arith.constant 64 : i32
      %lt3A_142 = arith.cmpi slt, %add3A_140, %lt3A_141 : i32
      %convert_element_type3A_143 = arith.extui %lt3A_142 : i1 to i32
      %cond3A_144 = arith.constant 0 : i32
      %cond3A_145 = arith.cmpi ne, %convert_element_type3A_143, %cond3A_144 : i32
      scf.if %cond3A_145 {
        %add3A_164 = arith.constant 4 : i32
        %add3A_165 = arith.addi %add3A_129, %add3A_164 : i32
        %mul3A_166 = arith.constant 16 : i32
        %mul3A_167 = arith.muli %add3A_165, %mul3A_166 : i32
        %dma_start3A_168 = tpu.memref_slice %arg6[%mul3A_167] : memref<1024xi32, #tpu.memory_space<vmem>> -> memref<16xi32, #tpu.memory_space<vmem>>
        %dma_start3A_169 = arith.constant 0 : i32
        %dma_start3A_170 = arith.constant 0 : i32
        %dma_start3A_171 = tpu.memref_slice %arg4[%dma_start3A_169, %dma_start3A_170] : memref<100000x1024xf32, #tpu.memory_space<hbm>> -> memref<100000x1024xf32, #tpu.memory_space<hbm>>
        tpu.enqueue_indirect_dma source(%dma_start3A_171 : memref<100000x1024xf32, #tpu.memory_space<hbm>>) target(%arg12 : memref<16x1024xf32, #tpu.memory_space<vmem>>) offsets(%dma_start3A_168 : memref<16xi32, #tpu.memory_space<vmem>>) semaphore(%arg17 : memref<!tpu.dma_semaphore, #tpu.memory_space<semaphore_mem>>)
      } else {
      }
      %add3A_146 = arith.constant 3 : i32
      %add3A_147 = arith.addi %mul3A_91, %add3A_146 : i32
      %mul3A_148 = arith.constant 16 : i32
      %mul3A_149 = arith.muli %add3A_147, %mul3A_148 : i32
      %dma_wait3A_150 = tpu.memref_slice %arg6[%mul3A_149] : memref<1024xi32, #tpu.memory_space<vmem>> -> memref<16xi32, #tpu.memory_space<vmem>>
      %dma_wait3A_151 = arith.constant 0 : i32
      %dma_wait3A_152 = arith.constant 0 : i32
      %dma_wait3A_153 = tpu.memref_slice %arg4[%dma_wait3A_151, %dma_wait3A_152] : memref<100000x1024xf32, #tpu.memory_space<hbm>> -> memref<100000x1024xf32, #tpu.memory_space<hbm>>
      tpu.wait_indirect_dma semaphore(%arg18 : memref<!tpu.dma_semaphore, #tpu.memory_space<semaphore_mem>>) src(%dma_wait3A_153 : memref<100000x1024xf32, #tpu.memory_space<hbm>>) dst(%arg13 : memref<16x1024xf32, #tpu.memory_space<vmem>>)
      %parallel_loop3A_154 = arith.constant 0 : i32
      %parallel_loop3A_155 = arith.constant 64 : i32
      %parallel_loop3A_156 = arith.constant 1 : i32
      scf.for %parallel_loop3A_164 = %parallel_loop3A_154 to %parallel_loop3A_155 step %parallel_loop3A_156  : i32 {
        %parallel_loop3A_165 = arith.constant 16 : i32
        %parallel_loop3A_166 = arith.muli %parallel_loop3A_164, %parallel_loop3A_165 : i32
        %parallel_loop3A_167 = arith.constant 0 : i32
        %parallel_loop3A_168 = arith.index_cast %parallel_loop3A_167 : i32 to index
        %parallel_loop3A_169 = arith.index_cast %parallel_loop3A_166 : i32 to index
        %parallel_loop3A_170 = tpu.vector_load %arg13[%parallel_loop3A_168, %parallel_loop3A_169] {strides = array<i32>} : memref<16x1024xf32, #tpu.memory_space<vmem>>, vector<1x16xf32>,
        %parallel_loop3A_171 = vector.shape_cast %parallel_loop3A_170 : vector<1x16xf32> to vector<16xf32>
        %parallel_loop3A_172 = arith.constant 1 : i32
        %parallel_loop3A_173 = arith.index_cast %parallel_loop3A_172 : i32 to index
        %parallel_loop3A_174 = arith.index_cast %parallel_loop3A_166 : i32 to index
        %parallel_loop3A_175 = tpu.vector_load %arg13[%parallel_loop3A_173, %parallel_loop3A_174] {strides = array<i32>} : memref<16x1024xf32, #tpu.memory_space<vmem>>, vector<1x16xf32>,
        %parallel_loop3A_176 = vector.shape_cast %parallel_loop3A_175 : vector<1x16xf32> to vector<16xf32>
        %parallel_loop3A_177 = arith.constant 2 : i32
        %parallel_loop3A_178 = arith.index_cast %parallel_loop3A_177 : i32 to index
        %parallel_loop3A_179 = arith.index_cast %parallel_loop3A_166 : i32 to index
        %parallel_loop3A_180 = tpu.vector_load %arg13[%parallel_loop3A_178, %parallel_loop3A_179] {strides = array<i32>} : memref<16x1024xf32, #tpu.memory_space<vmem>>, vector<1x16xf32>,
        %parallel_loop3A_181 = vector.shape_cast %parallel_loop3A_180 : vector<1x16xf32> to vector<16xf32>
        %parallel_loop3A_182 = arith.constant 3 : i32
        %parallel_loop3A_183 = arith.index_cast %parallel_loop3A_182 : i32 to index
        %parallel_loop3A_184 = arith.index_cast %parallel_loop3A_166 : i32 to index
        %parallel_loop3A_185 = tpu.vector_load %arg13[%parallel_loop3A_183, %parallel_loop3A_184] {strides = array<i32>} : memref<16x1024xf32, #tpu.memory_space<vmem>>, vector<1x16xf32>,
        %parallel_loop3A_186 = vector.shape_cast %parallel_loop3A_185 : vector<1x16xf32> to vector<16xf32>
        %parallel_loop3A_187 = arith.constant 4 : i32
        %parallel_loop3A_188 = arith.index_cast %parallel_loop3A_187 : i32 to index
        %parallel_loop3A_189 = arith.index_cast %parallel_loop3A_166 : i32 to index
        %parallel_loop3A_190 = tpu.vector_load %arg13[%parallel_loop3A_188, %parallel_loop3A_189] {strides = array<i32>} : memref<16x1024xf32, #tpu.memory_space<vmem>>, vector<1x16xf32>,
        %parallel_loop3A_191 = vector.shape_cast %parallel_loop3A_190 : vector<1x16xf32> to vector<16xf32>
        %parallel_loop3A_192 = arith.constant 5 : i32
        %parallel_loop3A_193 = arith.index_cast %parallel_loop3A_192 : i32 to index
        %parallel_loop3A_194 = arith.index_cast %parallel_loop3A_166 : i32 to index
        %parallel_loop3A_195 = tpu.vector_load %arg13[%parallel_loop3A_193, %parallel_loop3A_194] {strides = array<i32>} : memref<16x1024xf32, #tpu.memory_space<vmem>>, vector<1x16xf32>,
        %parallel_loop3A_196 = vector.shape_cast %parallel_loop3A_195 : vector<1x16xf32> to vector<16xf32>
        %parallel_loop3A_197 = arith.constant 6 : i32
        %parallel_loop3A_198 = arith.index_cast %parallel_loop3A_197 : i32 to index
        %parallel_loop3A_199 = arith.index_cast %parallel_loop3A_166 : i32 to index
        %parallel_loop3A_200 = tpu.vector_load %arg13[%parallel_loop3A_198, %parallel_loop3A_199] {strides = array<i32>} : memref<16x1024xf32, #tpu.memory_space<vmem>>, vector<1x16xf32>,
        %parallel_loop3A_201 = vector.shape_cast %parallel_loop3A_200 : vector<1x16xf32> to vector<16xf32>
        %parallel_loop3A_202 = arith.constant 7 : i32
        %parallel_loop3A_203 = arith.index_cast %parallel_loop3A_202 : i32 to index
        %parallel_loop3A_204 = arith.index_cast %parallel_loop3A_166 : i32 to index
        %parallel_loop3A_205 = tpu.vector_load %arg13[%parallel_loop3A_203, %parallel_loop3A_204] {strides = array<i32>} : memref<16x1024xf32, #tpu.memory_space<vmem>>, vector<1x16xf32>,
        %parallel_loop3A_206 = vector.shape_cast %parallel_loop3A_205 : vector<1x16xf32> to vector<16xf32>
        %parallel_loop3A_207 = arith.constant 8 : i32
        %parallel_loop3A_208 = arith.index_cast %parallel_loop3A_207 : i32 to index
        %parallel_loop3A_209 = arith.index_cast %parallel_loop3A_166 : i32 to index
        %parallel_loop3A_210 = tpu.vector_load %arg13[%parallel_loop3A_208, %parallel_loop3A_209] {strides = array<i32>} : memref<16x1024xf32, #tpu.memory_space<vmem>>, vector<1x16xf32>,
        %parallel_loop3A_211 = vector.shape_cast %parallel_loop3A_210 : vector<1x16xf32> to vector<16xf32>
        %parallel_loop3A_212 = arith.addf %parallel_loop3A_171, %parallel_loop3A_211 : vector<16xf32>
        %parallel_loop3A_213 = arith.constant 9 : i32
        %parallel_loop3A_214 = arith.index_cast %parallel_loop3A_213 : i32 to index
        %parallel_loop3A_215 = arith.index_cast %parallel_loop3A_166 : i32 to index
        %parallel_loop3A_216 = tpu.vector_load %arg13[%parallel_loop3A_214, %parallel_loop3A_215] {strides = array<i32>} : memref<16x1024xf32, #tpu.memory_space<vmem>>, vector<1x16xf32>,
        %parallel_loop3A_217 = vector.shape_cast %parallel_loop3A_216 : vector<1x16xf32> to vector<16xf32>
        %parallel_loop3A_218 = arith.addf %parallel_loop3A_176, %parallel_loop3A_217 : vector<16xf32>
        %parallel_loop3A_219 = arith.constant 10 : i32
        %parallel_loop3A_220 = arith.index_cast %parallel_loop3A_219 : i32 to index
        %parallel_loop3A_221 = arith.index_cast %parallel_loop3A_166 : i32 to index
        %parallel_loop3A_222 = tpu.vector_load %arg13[%parallel_loop3A_220, %parallel_loop3A_221] {strides = array<i32>} : memref<16x1024xf32, #tpu.memory_space<vmem>>, vector<1x16xf32>,
        %parallel_loop3A_223 = vector.shape_cast %parallel_loop3A_222 : vector<1x16xf32> to vector<16xf32>
        %parallel_loop3A_224 = arith.addf %parallel_loop3A_181, %parallel_loop3A_223 : vector<16xf32>
        %parallel_loop3A_225 = arith.constant 11 : i32
        %parallel_loop3A_226 = arith.index_cast %parallel_loop3A_225 : i32 to index
        %parallel_loop3A_227 = arith.index_cast %parallel_loop3A_166 : i32 to index
        %parallel_loop3A_228 = tpu.vector_load %arg13[%parallel_loop3A_226, %parallel_loop3A_227] {strides = array<i32>} : memref<16x1024xf32, #tpu.memory_space<vmem>>, vector<1x16xf32>,
        %parallel_loop3A_229 = vector.shape_cast %parallel_loop3A_228 : vector<1x16xf32> to vector<16xf32>
        %parallel_loop3A_230 = arith.addf %parallel_loop3A_186, %parallel_loop3A_229 : vector<16xf32>
        %parallel_loop3A_231 = arith.constant 12 : i32
        %parallel_loop3A_232 = arith.index_cast %parallel_loop3A_231 : i32 to index
        %parallel_loop3A_233 = arith.index_cast %parallel_loop3A_166 : i32 to index
        %parallel_loop3A_234 = tpu.vector_load %arg13[%parallel_loop3A_232, %parallel_loop3A_233] {strides = array<i32>} : memref<16x1024xf32, #tpu.memory_space<vmem>>, vector<1x16xf32>,
        %parallel_loop3A_235 = vector.shape_cast %parallel_loop3A_234 : vector<1x16xf32> to vector<16xf32>
        %parallel_loop3A_236 = arith.addf %parallel_loop3A_191, %parallel_loop3A_235 : vector<16xf32>
        %parallel_loop3A_237 = arith.constant 13 : i32
        %parallel_loop3A_238 = arith.index_cast %parallel_loop3A_237 : i32 to index
        %parallel_loop3A_239 = arith.index_cast %parallel_loop3A_166 : i32 to index
        %parallel_loop3A_240 = tpu.vector_load %arg13[%parallel_loop3A_238, %parallel_loop3A_239] {strides = array<i32>} : memref<16x1024xf32, #tpu.memory_space<vmem>>, vector<1x16xf32>,
        %parallel_loop3A_241 = vector.shape_cast %parallel_loop3A_240 : vector<1x16xf32> to vector<16xf32>
        %parallel_loop3A_242 = arith.addf %parallel_loop3A_196, %parallel_loop3A_241 : vector<16xf32>
        %parallel_loop3A_243 = arith.constant 14 : i32
        %parallel_loop3A_244 = arith.index_cast %parallel_loop3A_243 : i32 to index
        %parallel_loop3A_245 = arith.index_cast %parallel_loop3A_166 : i32 to index
        %parallel_loop3A_246 = tpu.vector_load %arg13[%parallel_loop3A_244, %parallel_loop3A_245] {strides = array<i32>} : memref<16x1024xf32, #tpu.memory_space<vmem>>, vector<1x16xf32>,
        %parallel_loop3A_247 = vector.shape_cast %parallel_loop3A_246 : vector<1x16xf32> to vector<16xf32>
        %parallel_loop3A_248 = arith.addf %parallel_loop3A_201, %parallel_loop3A_247 : vector<16xf32>
        %parallel_loop3A_249 = arith.constant 15 : i32
        %parallel_loop3A_250 = arith.index_cast %parallel_loop3A_249 : i32 to index
        %parallel_loop3A_251 = arith.index_cast %parallel_loop3A_166 : i32 to index
        %parallel_loop3A_252 = tpu.vector_load %arg13[%parallel_loop3A_250, %parallel_loop3A_251] {strides = array<i32>} : memref<16x1024xf32, #tpu.memory_space<vmem>>, vector<1x16xf32>,
        %parallel_loop3A_253 = vector.shape_cast %parallel_loop3A_252 : vector<1x16xf32> to vector<16xf32>
        %parallel_loop3A_254 = arith.addf %parallel_loop3A_206, %parallel_loop3A_253 : vector<16xf32>
        %parallel_loop3A_255 = arith.addf %parallel_loop3A_212, %parallel_loop3A_218 : vector<16xf32>
        %parallel_loop3A_256 = arith.addf %parallel_loop3A_224, %parallel_loop3A_230 : vector<16xf32>
        %parallel_loop3A_257 = arith.addf %parallel_loop3A_255, %parallel_loop3A_256 : vector<16xf32>
        %parallel_loop3A_258 = arith.addf %parallel_loop3A_236, %parallel_loop3A_242 : vector<16xf32>
        %parallel_loop3A_259 = arith.addf %parallel_loop3A_248, %parallel_loop3A_254 : vector<16xf32>
        %parallel_loop3A_260 = arith.addf %parallel_loop3A_258, %parallel_loop3A_259 : vector<16xf32>
        %parallel_loop3A_261 = arith.addf %parallel_loop3A_257, %parallel_loop3A_260 : vector<16xf32>
        %parallel_loop3A_262 = arith.constant 0 : i32
        %parallel_loop3A_263 = arith.index_cast %parallel_loop3A_262 : i32 to index
        %parallel_loop3A_264 = arith.index_cast %parallel_loop3A_166 : i32 to index
        %parallel_loop3A_265 = tpu.vector_load %arg14[%parallel_loop3A_263, %parallel_loop3A_264] {strides = array<i32>} : memref<1x1024xf32, #tpu.memory_space<vmem>>, vector<1x16xf32>,
        %parallel_loop3A_266 = vector.shape_cast %parallel_loop3A_265 : vector<1x16xf32> to vector<16xf32>
        %parallel_loop3A_267 = vector.shape_cast %parallel_loop3A_261 : vector<16xf32> to vector<1x16xf32>
        tpu.vector_store %arg14[%parallel_loop3A_263, %parallel_loop3A_264], %parallel_loop3A_267 {add = true, strides = array<i32>} : memref<1x1024xf32, #tpu.memory_space<vmem>>, vector<1x16xf32>,
      } {sc.loop_unroll_factor = 2 : i64, sc.parallel_access}
      %add3A_157 = arith.constant 4 : i32
      %add3A_158 = arith.addi %add3A_147, %add3A_157 : i32
      %lt3A_159 = arith.constant 64 : i32
      %lt3A_160 = arith.cmpi slt, %add3A_158, %lt3A_159 : i32
      %convert_element_type3A_161 = arith.extui %lt3A_160 : i1 to i32
      %cond3A_162 = arith.constant 0 : i32
      %cond3A_163 = arith.cmpi ne, %convert_element_type3A_161, %cond3A_162 : i32
      scf.if %cond3A_163 {
        %add3A_164 = arith.constant 4 : i32
        %add3A_165 = arith.addi %add3A_147, %add3A_164 : i32
        %mul3A_166 = arith.constant 16 : i32
        %mul3A_167 = arith.muli %add3A_165, %mul3A_166 : i32
        %dma_start3A_168 = tpu.memref_slice %arg6[%mul3A_167] : memref<1024xi32, #tpu.memory_space<vmem>> -> memref<16xi32, #tpu.memory_space<vmem>>
        %dma_start3A_169 = arith.constant 0 : i32
        %dma_start3A_170 = arith.constant 0 : i32
        %dma_start3A_171 = tpu.memref_slice %arg4[%dma_start3A_169, %dma_start3A_170] : memref<100000x1024xf32, #tpu.memory_space<hbm>> -> memref<100000x1024xf32, #tpu.memory_space<hbm>>
        tpu.enqueue_indirect_dma source(%dma_start3A_171 : memref<100000x1024xf32, #tpu.memory_space<hbm>>) target(%arg13 : memref<16x1024xf32, #tpu.memory_space<vmem>>) offsets(%dma_start3A_168 : memref<16xi32, #tpu.memory_space<vmem>>) semaphore(%arg18 : memref<!tpu.dma_semaphore, #tpu.memory_space<semaphore_mem>>)
      } else {
      }
    }
    %scan3A_83 = arith.constant 16 : i32
    "tpu.region"() ({
      %run_scoped3A = tpu.sem_alloc : memref<!tpu.dma_semaphore, #tpu.memory_space<semaphore_mem>>
      %dma_start3A_89 = arith.constant 0 : i32
      %dma_start3A_90 = tpu.memref_slice %arg5[%add3A, %dma_start3A_89] : memref<33x1024xf32, #tpu.memory_space<hbm>> -> memref<1x1024xf32, #tpu.memory_space<hbm>>
      %dma_start3A_91 = arith.constant 0 : i32
      %dma_start3A_92 = tpu.memref_slice %arg5[%add3A, %dma_start3A_91] : memref<33x1024xf32, #tpu.memory_space<hbm>> -> memref<1x1024xf32, #tpu.memory_space<hbm>>
      tpu.enqueue_dma source(%arg14 : memref<1x1024xf32, #tpu.memory_space<vmem>>) target(%dma_start3A_92 : memref<1x1024xf32, #tpu.memory_space<hbm>>) target_semaphore(%run_scoped3A : memref<!tpu.dma_semaphore, #tpu.memory_space<semaphore_mem>>)
      %dma_wait3A_93 = arith.constant 0 : i32
      %dma_wait3A_94 = tpu.memref_slice %arg5[%add3A, %dma_wait3A_93] : memref<33x1024xf32, #tpu.memory_space<hbm>> -> memref<1x1024xf32, #tpu.memory_space<hbm>>
      %dma_wait3A_95 = arith.constant 0 : i32
      %dma_wait3A_96 = tpu.memref_slice %arg5[%add3A, %dma_wait3A_95] : memref<33x1024xf32, #tpu.memory_space<hbm>> -> memref<1x1024xf32, #tpu.memory_space<hbm>>
      tpu.wait_dma2 semaphore(%run_scoped3A : memref<!tpu.dma_semaphore, #tpu.memory_space<semaphore_mem>>) src(%arg14 : memref<1x1024xf32, #tpu.memory_space<vmem>>) dst(%dma_wait3A_96 : memref<1x1024xf32, #tpu.memory_space<hbm>>)
      tpu.yield
    }) : () -> ()
    %eq3A_84 = arith.constant 0 : i32
    %eq3A_85 = arith.cmpi eq, %add3A, %eq3A_84 : i32
    %convert_element_type3A_86 = arith.extui %eq3A_85 : i1 to i32
    %cond3A_87 = arith.constant 0 : i32
    %cond3A_88 = arith.cmpi ne, %convert_element_type3A_86, %cond3A_87 : i32
    scf.if %cond3A_88 {
      %dma_wait3A_89 = arith.constant 0 : i32
      %dma_wait3A_90 = tpu.memref_slice %arg8[%dma_wait3A_89] : memref<16xi32, #tpu.memory_space<vmem>> -> memref<8xi32, #tpu.memory_space<vmem>>
      %dma_wait3A_91 = arith.constant 0 : i32
      %dma_wait3A_92 = arith.constant 0 : i32
      %dma_wait3A_93 = tpu.memref_slice %arg4[%dma_wait3A_91, %dma_wait3A_92] : memref<100000x1024xf32, #tpu.memory_space<hbm>> -> memref<100000x1024xf32, #tpu.memory_space<hbm>>
      tpu.wait_indirect_dma semaphore(%arg19 : memref<!tpu.dma_semaphore, #tpu.memory_space<semaphore_mem>>) src(%dma_wait3A_93 : memref<100000x1024xf32, #tpu.memory_space<hbm>>) dst(%arg9 : memref<8x1024xf32, #tpu.memory_space<vmem>>)
      "tpu.region"() ({
        %run_scoped3A = tpu.sem_alloc : memref<!tpu.dma_semaphore, #tpu.memory_space<semaphore_mem>>
        %dma_start3A_94 = arith.constant 0 : i32
        %dma_start3A_95 = arith.constant 0 : i32
        %dma_start3A_96 = tpu.memref_slice %arg9[%dma_start3A_94, %dma_start3A_95] : memref<8x1024xf32, #tpu.memory_space<vmem>> -> memref<1x1024xf32, #tpu.memory_space<vmem>>
        %dma_start3A_97 = arith.constant 32 : i32
        %dma_start3A_98 = arith.constant 0 : i32
        %dma_start3A_99 = tpu.memref_slice %arg5[%dma_start3A_97, %dma_start3A_98] : memref<33x1024xf32, #tpu.memory_space<hbm>> -> memref<1x1024xf32, #tpu.memory_space<hbm>>
        %dma_start3A_100 = arith.constant 32 : i32
        %dma_start3A_101 = arith.constant 0 : i32
        %dma_start3A_102 = tpu.memref_slice %arg5[%dma_start3A_100, %dma_start3A_101] : memref<33x1024xf32, #tpu.memory_space<hbm>> -> memref<1x1024xf32, #tpu.memory_space<hbm>>
        %dma_start3A_103 = arith.constant 0 : i32
        %dma_start3A_104 = arith.constant 0 : i32
        %dma_start3A_105 = tpu.memref_slice %arg9[%dma_start3A_103, %dma_start3A_104] : memref<8x1024xf32, #tpu.memory_space<vmem>> -> memref<1x1024xf32, #tpu.memory_space<vmem>>
        tpu.enqueue_dma source(%dma_start3A_105 : memref<1x1024xf32, #tpu.memory_space<vmem>>) target(%dma_start3A_102 : memref<1x1024xf32, #tpu.memory_space<hbm>>) target_semaphore(%run_scoped3A : memref<!tpu.dma_semaphore, #tpu.memory_space<semaphore_mem>>)
        %dma_wait3A_106 = arith.constant 0 : i32
        %dma_wait3A_107 = arith.constant 0 : i32
        %dma_wait3A_108 = tpu.memref_slice %arg9[%dma_wait3A_106, %dma_wait3A_107] : memref<8x1024xf32, #tpu.memory_space<vmem>> -> memref<1x1024xf32, #tpu.memory_space<vmem>>
        %dma_wait3A_109 = arith.constant 32 : i32
        %dma_wait3A_110 = arith.constant 0 : i32
        %dma_wait3A_111 = tpu.memref_slice %arg5[%dma_wait3A_109, %dma_wait3A_110] : memref<33x1024xf32, #tpu.memory_space<hbm>> -> memref<1x1024xf32, #tpu.memory_space<hbm>>
        %dma_wait3A_112 = arith.constant 32 : i32
        %dma_wait3A_113 = arith.constant 0 : i32
        %dma_wait3A_114 = tpu.memref_slice %arg5[%dma_wait3A_112, %dma_wait3A_113] : memref<33x1024xf32, #tpu.memory_space<hbm>> -> memref<1x1024xf32, #tpu.memory_space<hbm>>
        %dma_wait3A_115 = arith.constant 0 : i32
        %dma_wait3A_116 = arith.constant 0 : i32
        %dma_wait3A_117 = tpu.memref_slice %arg9[%dma_wait3A_115, %dma_wait3A_116] : memref<8x1024xf32, #tpu.memory_space<vmem>> -> memref<1x1024xf32, #tpu.memory_space<vmem>>
        tpu.wait_dma2 semaphore(%run_scoped3A : memref<!tpu.dma_semaphore, #tpu.memory_space<semaphore_mem>>) src(%dma_wait3A_117 : memref<1x1024xf32, #tpu.memory_space<vmem>>) dst(%dma_wait3A_114 : memref<1x1024xf32, #tpu.memory_space<hbm>>)
        tpu.yield
      }) : () -> ()
    } else {
    }
    return
  }
}

module attributes {stable_mosaic.version = 14 : i64} {
  func.func @_head_body(%arg0: memref<33x1024xf32, #tpu.memory_space<vmem>>, %arg1: memref<4x8192xi32, #tpu.memory_space<vmem>>, %arg2: memref<1024x1024xf32, #tpu.memory_space<vmem>>, %arg3: memref<1x1024xf32, #tpu.memory_space<vmem>>, %arg4: memref<1x1024xf32, #tpu.memory_space<vmem>>, %arg5: memref<1x1xf32, #tpu.memory_space<vmem>>, %arg6: memref<1x4xf32, #tpu.memory_space<vmem>>) attributes {dimension_semantics = [], scalar_prefetch = 0 : i64, scratch_operands = 0 : i64, tpu.core_type = #tpu.core_type<tc>} {
    %get3A = arith.constant 0 : index
    %get3A_0 = arith.constant 0 : index
    %get3A_1 = vector.load %arg0[%get3A, %get3A_0] : memref<33x1024xf32, #tpu.memory_space<vmem>>, vector<33x1024xf32>
    %slice3A = vector.extract_strided_slice %get3A_1 {offsets = [0, 0], sizes = [16, 1024], strides = [1, 1]} : vector<33x1024xf32> to vector<16x1024xf32>
    %slice3A_2 = vector.extract_strided_slice %get3A_1 {offsets = [16, 0], sizes = [16, 1024], strides = [1, 1]} : vector<33x1024xf32> to vector<16x1024xf32>
    %add3A = arith.addf %slice3A, %slice3A_2 : vector<16x1024xf32>
    %slice3A_3 = vector.extract_strided_slice %add3A {offsets = [0, 0], sizes = [8, 1024], strides = [1, 1]} : vector<16x1024xf32> to vector<8x1024xf32>
    %slice3A_4 = vector.extract_strided_slice %add3A {offsets = [8, 0], sizes = [8, 1024], strides = [1, 1]} : vector<16x1024xf32> to vector<8x1024xf32>
    %add3A_5 = arith.addf %slice3A_3, %slice3A_4 : vector<8x1024xf32>
    %slice3A_6 = vector.extract_strided_slice %add3A_5 {offsets = [0, 0], sizes = [4, 1024], strides = [1, 1]} : vector<8x1024xf32> to vector<4x1024xf32>
    %slice3A_7 = vector.extract_strided_slice %add3A_5 {offsets = [4, 0], sizes = [4, 1024], strides = [1, 1]} : vector<8x1024xf32> to vector<4x1024xf32>
    %add3A_8 = arith.addf %slice3A_6, %slice3A_7 : vector<4x1024xf32>
    %get3A_9 = arith.constant 0 : index
    %get3A_10 = arith.constant 0 : index
    %get3A_11 = vector.load %arg1[%get3A_9, %get3A_10] : memref<4x8192xi32, #tpu.memory_space<vmem>>, vector<4x8192xi32>
    %convert_element_type3A = arith.sitofp %get3A_11 : vector<4x8192xi32> to vector<4x8192xf32>
    %reduce_sum3A = arith.constant dense<0.000000e+00> : vector<4xf32>
    %reduce_sum3A_12 = vector.multi_reduction <add>, %convert_element_type3A, %reduce_sum3A [1] : vector<4x8192xf32> to vector<4xf32>
    %broadcast_in_dim3A = vector.shape_cast %reduce_sum3A_12 : vector<4xf32> to vector<4x1xf32>
    %sub3A = arith.constant 8.192000e+03 : f32
    %sub3A_13 = vector.broadcast %sub3A : f32 to vector<4x1xf32>
    %sub3A_14 = arith.subf %sub3A_13, %broadcast_in_dim3A : vector<4x1xf32>
    %slice3A_15 = vector.extract_strided_slice %get3A_1 {offsets = [32, 0], sizes = [1, 1024], strides = [1, 1]} : vector<33x1024xf32> to vector<1x1024xf32>
    %mul3A = vector.broadcast %sub3A_14 : vector<4x1xf32> to vector<4x1024xf32>
    %mul3A_16 = vector.broadcast %slice3A_15 : vector<1x1024xf32> to vector<4x1024xf32>
    %mul3A_17 = arith.mulf %mul3A, %mul3A_16 : vector<4x1024xf32>
    %sub3A_18 = arith.subf %add3A_8, %mul3A_17 : vector<4x1024xf32>
    %jit3A = arith.constant 9.99999997E-7 : f32
    %max3A = vector.broadcast %jit3A : f32 to vector<4x1xf32>
    %max3A_19 = arith.maximumf %max3A, %broadcast_in_dim3A : vector<4x1xf32>
    %div3A = vector.broadcast %max3A_19 : vector<4x1xf32> to vector<4x1024xf32>
    %div3A_20 = arith.divf %sub3A_18, %div3A : vector<4x1024xf32>
    %get3A_21 = arith.constant 0 : index
    %get3A_22 = arith.constant 0 : index
    %get3A_23 = vector.load %arg2[%get3A_21, %get3A_22] : memref<1024x1024xf32, #tpu.memory_space<vmem>>, vector<1024x1024xf32>
    %dot_general3A = arith.constant dense<0.000000e+00> : vector<4x1024xf32>
    %dot_general3A_24 = tpu.matmul %div3A_20, %get3A_23, %dot_general3A {dimension_numbers = #tpu.dot_dimension_numbers<[1], [0], [0], [1], [0, 0, 1, 1], [], []>, transpose_lhs_hint = false} : vector<4x1024xf32>, vector<1024x1024xf32>, vector<4x1024xf32> -> vector<4x1024xf32>
    %get3A_25 = arith.constant 0 : index
    %get3A_26 = arith.constant 0 : index
    %get3A_27 = vector.load %arg3[%get3A_25, %get3A_26] : memref<1x1024xf32, #tpu.memory_space<vmem>>, vector<1x1024xf32>
    %add3A_28 = vector.broadcast %get3A_27 : vector<1x1024xf32> to vector<4x1024xf32>
    %add3A_29 = arith.addf %dot_general3A_24, %add3A_28 : vector<4x1024xf32>
    %logistic3A = arith.negf %add3A_29 : vector<4x1024xf32>
    %logistic3A_30 = math.exp %logistic3A : vector<4x1024xf32>
    %logistic3A_31 = arith.constant 1.000000e+00 : f32
    %logistic3A_32 = vector.broadcast %logistic3A_31 : f32 to vector<4x1024xf32>
    %logistic3A_33 = arith.addf %logistic3A_32, %logistic3A_30 : vector<4x1024xf32>
    %logistic3A_34 = arith.divf %logistic3A_32, %logistic3A_33 : vector<4x1024xf32>
    %mul3A_35 = arith.mulf %add3A_29, %logistic3A_34 : vector<4x1024xf32>
    %get3A_36 = arith.constant 0 : index
    %get3A_37 = arith.constant 0 : index
    %get3A_38 = vector.load %arg4[%get3A_36, %get3A_37] : memref<1x1024xf32, #tpu.memory_space<vmem>>, vector<1x1024xf32>
    %dot_general3A_39 = arith.constant dense<0.000000e+00> : vector<1x4xf32>
    %dot_general3A_40 = tpu.matmul %get3A_38, %mul3A_35, %dot_general3A_39 {dimension_numbers = #tpu.dot_dimension_numbers<[1], [1], [0], [0], [0, 0, 1, 0], [], []>, transpose_lhs_hint = false} : vector<1x1024xf32>, vector<4x1024xf32>, vector<1x4xf32> -> vector<1x4xf32>
    %get3A_41 = arith.constant 0 : index
    %get3A_42 = arith.constant 0 : index
    %get3A_43 = vector.load %arg5[%get3A_41, %get3A_42] : memref<1x1xf32, #tpu.memory_space<vmem>>, vector<1x1xf32>
    %add3A_44 = vector.broadcast %get3A_43 : vector<1x1xf32> to vector<1x4xf32>
    %add3A_45 = arith.addf %dot_general3A_40, %add3A_44 : vector<1x4xf32>
    %swap3A = arith.constant 0 : index
    %swap3A_46 = arith.constant 0 : index
    %swap3A_47 = vector.load %arg6[%swap3A, %swap3A_46] : memref<1x4xf32, #tpu.memory_space<vmem>>, vector<1x4xf32>
    tpu.vector_store %arg6[%swap3A, %swap3A_46], %add3A_45 {strides = array<i32>} : memref<1x4xf32, #tpu.memory_space<vmem>>, vector<1x4xf32>,
    return
  }
}

</mosaic_0001>

<sc_bundles>
// kernel: kernel.4.cloned.1.call-start
scs
__scs_entry_jumppad:
0x0: {  	(pc) =	sbr.rel $0x88, $3  }
0x1: {  	(tag) =	ssettag $0x0;
	lr =	simm.s32 $0x1  }
0x2: {  	[smem:$0x3F9A] =	sst lr;
	_ =	strace $0xD0000000  }
0x3: {  	_ = 	snop  }
0x4: {  	_ = 	snop  }
0x5: {  	_ = 	snop  }
0x6: {  	_ = 	snop  }
0x7: {  	_ = 	snop  }
__scs_overlays_trampoline_lowered:
0x8: {  	[smem:$0x3FA9] =	sst s0  }
0x9: {  	[smem:$0x3FAA] =	sst s1  }
0xa: {  	[smem:$0x3FAB] =	sst s2  }
0xb: {  	[smem:$0x3FAC] =	sst s3  }
0xc: {  	[smem:$0x3FAD] =	sst s4  }
0xd: {  	[smem:$0x3FAE] =	sst s5  }
0xe: {  	[smem:$0x3FAF] =	sst s6  }
0xf: {  	[smem:$0x3FB0] =	sst s7  }
0x10: {  	[smem:$0x3FB1] =	sst s8  }
0x11: {  	[smem:$0x3FB2] =	sst s9;
	s0 =	simm.s32 @!p0 $0x0  }
0x12: {  	s1 =	sld [smem:$0x3F98];
	s0 =	simm.s32 @p0 $0x1  }
0x13: {  	[smem:$0x3FB3] =	sst s0;
	s0 =	simm.s32 @!p1 $0x0  }
0x14: {  	s2 =	sld [smem:$0x3F97];
	s0 =	simm.s32 @p1 $0x1  }
0x15: {  	[smem:$0x3FB4] =	sst s0;
	s0 =	simm.s32 @!p2 $0x0  }
0x16: {  	s3 =	sld [smem:$0x3FDB];
	s0 =	simm.s32 @p2 $0x1  }
0x17: {  	s4 =	simm.s32 $0x1BF5;
	[smem:$0x3FB6] =	sst s0  }
0x18: {  	s0 =	sld [smem:$0x3F99];
	_ =	swait.ge [sflag:s4], $0x0  }
0x19: {  	s7 =	sld [smem:$0x3F9A]  }
0x1a: {  	s8 =	sadd.s32 $0xFFFFE003, lr  }
0x1b: {  	s9 =	sadd.s32 $0xFFFFFEF7, lr;
	s5 =	simm.s32 $0xFFFFFFFF;
	p2 =	slt.u32 s8, $0xFFFFF086  }
0x1c: {  	p1 =	slt.u32 s9, $0xF7A;
	s5 =	simm.s32 @!p2 $0x0  }
0x1d: {  	s5 =	simm.s32 @p1 $0x1;
	p0 =	seq.s32 s7, s2  }
0x1e: {  	s7 =	smul.u32 @!p0 $0xF7A, s2;
	p2 =	seq.s32 @!p0 s5, $0x0  }
0x1f: {  	s9 =	smul.u32 $0xF7A, s1;
	s8 =	simm.s32 @!p0 $0x1BF5;
	p2 =	por !p2, p0  }
0x20: {  	[sflag:s8] =	ssyncset.s32 @!p0 $0xFFFFF086;
	s6 =	sadd.s32 @!p0 s3, s7;
	s7 =	simm.s32 @!p0 $0x108  }
0x21: {  	s3 =	sadd.s32 s3, s9;
	s6 =	sadd.s32 @!p0 $0x88, s6;
	s7 =	simm.s32 @p2 $0x1082  }
0x22: {  	[simem:s7], [sflag:s8] =	dma.local @!p0 [hbm:s6], $0xF7A  }
0x23: {  	s9 =	sor.u32 $0xD0000000, s2;
	s6 =	simm.s32 $0x108;
	_ =	swait.ge @!p0 [sflag:s8], $0x0  }
0x24: {  	s3 =	sadd.s32 $0x88, s3;
	s6 =	simm.s32 @!p1 $0x1082;
	[sflag:s4] =	ssyncset.s32 $0xFFFFF086  }
0x25: {  	[simem:s6], [sflag:s4] =	dma.local [hbm:s3], $0xF7A  }
0x26: {  	[smem:$0x3F9A] =	sst s1;
	(tag) =	ssettag s2;
	_ =	strace s9  }
0x27: {  	s1 =	sld [smem:$0x3FAA]  }
0x28: {  	s2 =	sld [smem:$0x3FAB]  }
0x29: {  	s4 =	sld [smem:$0x3FAD]  }
0x2a: {  	p0 =	seq.s32 s5, $0x0;
	s5 =	sld [smem:$0x3FAE]  }
0x2b: {  	s6 =	sld [smem:$0x3FAF]  }
0x2c: {  	s7 =	sld [smem:$0x3FB0]  }
0x2d: {  	s3 =	simm.s32 $0x108;
	s8 =	sld [smem:$0x3FB1]  }
0x2e: {  	s3 =	simm.s32 @!p0 $0x1082;
	s9 =	sld [smem:$0x3FB2]  }
0x2f: {  	lr =	sadd.s32 s0, s3;
	s0 =	sld [smem:$0x3FA9]  }
0x30: {  	s3 =	sld [smem:$0x3FAC]  }
0x31: {  	[smem:$0x3FB5] =	sst s10  }
0x32: {  	s10 =	sld [smem:$0x3FB3];
	_ =	sdelay $0x3  }
0x33: {  	p0 =	seq.s32 s10, $0x1;
	s10 =	sld [smem:$0x3FB5];
	_ =	sdelay $0x3  }
0x34: {  	[smem:$0x3FB5] =	sst s10  }
0x35: {  	s10 =	sld [smem:$0x3FB4];
	_ =	sdelay $0x3  }
0x36: {  	p1 =	seq.s32 s10, $0x1;
	s10 =	sld [smem:$0x3FB5];
	_ =	sdelay $0x3  }
0x37: {  	[smem:$0x3FB5] =	sst s10  }
0x38: {  	s10 =	sld [smem:$0x3FB6]  }
0x39: {  	_ = 	snop;
	(pc) =	sbr.ind lr, $3  }
0x3a: {  	_ = 	snop  }
0x3b: {  	_ = 	snop  }
0x3c: {  	p2 =	seq.s32 s10, $0x1;
	s10 =	sld [smem:$0x3FB5]  }
0x3d: {  	_ =	shalt  }
0x3e: {  	_ =	shalt  }
0x3f: {  	_ =	shalt  }
0x40: {  	_ =	shalt  }
0x41: {  	_ =	shalt  }
0x42: {  	_ =	shalt  }
0x43: {  	_ =	shalt  }
0x44: {  	_ =	shalt  }
0x45: {  	_ =	shalt  }
0x46: {  	_ =	shalt  }
0x47: {  	_ =	shalt  }
0x48: {  	_ =	shalt  }
0x49: {  	_ =	shalt  }
0x4a: {  	_ =	shalt  }
0x4b: {  	_ =	shalt  }
0x4c: {  	_ =	shalt  }
0x4d: {  	_ =	shalt  }
0x4e: {  	_ =	shalt  }
0x4f: {  	_ =	shalt  }
0x50: {  	_ =	shalt  }
0x51: {  	_ =	shalt  }
0x52: {  	_ =	shalt  }
0x53: {  	_ =	shalt  }
0x54: {  	_ =	shalt  }
0x55: {  	_ =	shalt  }
0x56: {  	_ =	shalt  }
0x57: {  	_ =	shalt  }
0x58: {  	_ =	shalt  }
0x59: {  	_ =	shalt  }
0x5a: {  	_ =	shalt  }
0x5b: {  	_ =	shalt  }
0x5c: {  	_ =	shalt  }
0x5d: {  	_ =	shalt  }
0x5e: {  	_ =	shalt  }
0x5f: {  	_ =	shalt  }
0x60: {  	_ =	shalt  }
0x61: {  	_ =	shalt  }
0x62: {  	_ =	shalt  }
0x63: {  	_ =	shalt  }
0x64: {  	_ =	shalt  }
0x65: {  	_ =	shalt  }
0x66: {  	_ =	shalt  }
0x67: {  	_ =	shalt  }
0x68: {  	_ =	shalt  }
0x69: {  	_ =	shalt  }
0x6a: {  	_ =	shalt  }
0x6b: {  	_ =	shalt  }
0x6c: {  	_ =	shalt  }
0x6d: {  	_ =	shalt  }
0x6e: {  	_ =	shalt  }
0x6f: {  	_ =	shalt  }
0x70: {  	_ =	shalt  }
0x71: {  	_ =	shalt  }
0x72: {  	_ =	shalt  }
0x73: {  	_ =	shalt  }
0x74: {  	_ =	shalt  }
0x75: {  	_ =	shalt  }
0x76: {  	_ =	shalt  }
0x77: {  	_ =	shalt  }
0x78: {  	_ =	shalt  }
0x79: {  	_ =	shalt  }
0x7a: {  	_ =	shalt  }
0x7b: {  	_ =	shalt  }
0x7c: {  	_ =	shalt  }
0x7d: {  	_ =	shalt  }
0x7e: {  	_ =	shalt  }
0x7f: {  	_ =	shalt  }
0x80: {  	_ =	shalt  }
0x81: {  	_ =	shalt  }
0x82: {  	_ =	shalt  }
0x83: {  	_ =	shalt  }
0x84: {  	_ =	shalt  }
0x85: {  	_ =	shalt  }
0x86: {  	_ =	shalt  }
0x87: {  	_ =	shalt  }
.Lfunc_end0:
.L_simem_size_0:
called_computation_lowered:
.L_overlay_start_0:
0x88: {  	s2 =	sld [smem:$0x3FD9]  }
0x89: {  	s3 =	sld [smem:$0x3FFE];
	_ =	sdelay $0x1  }
0x8a: {  	s1 =	srdreg.scid  }
0x8b: {  	s0 =	sand.u32 $0x1, s1  }
0x8c: {  	s17 =	sshll.u32 s0, $0xA;
	s2 =	sadd.s32 s3, s2  }
0x8d: {  	s2 =	sadd.s32 s2, s17  }
0x8e: {  	[smem:$0x3FC1] =	sst s2  }
0x8f: {  	_ = 	snop  }
0x90: {  	s2 =	sld [smem:$0x3FC9]  }
0x91: {  	s18 =	sld [smem:$0x3FC8]  }
0x92: {  	s4 =	sld [smem:$0x3FC7];
	(tm) =	ssettm $0x1  }
0x93: {  	s5 =	sld [smem:$0x3FFB];
	_ =	sdelay $0x3  }
0x94: {  	_ =	strace s5  }
0x95: {  	s5 =	sld [smem:$0x3FFC];
	_ =	sdelay $0x3  }
0x96: {  	_ =	strace s5  }
0x97: {  	s5 =	sld [smem:$0x3FFD];
	_ =	sdelay $0x3  }
0x98: {  	_ =	strace s5  }
0x99: {  	_ =	strace $0x8FFFFFFF  }
0x9a: {  	s19 =	sld [smem:$0x3FDB];
	_ =	sdelay $0x1  }
0x9b: {  	s6 =	simm.s32 $_scs_section_size  }
0x9c: {  	s7 =	simm.s32 $_size__tile_overlayer_lowered;
	s8 =	simm.s32 $_tile_overlayer_lowered  }
0x9d: {  	s22 =	simm.s32 $0x1BFF;
	s21 =	sshll.u32 s8, $0x1;
	s5 =	sadd.s32 s6, s19  }
0x9e: {  	s9 =	simm.s32 $0x0;
	s20 =	sshll.u32 s7, $0x1;
	s7 =	sadd.s32 s21, s5  }
0x9f: {  	[timem:s9], [sflag:s22] =	dma.local [hbm:s7], s20  }
0xa0: {  	_ =	swait.ge [sflag:s22], s20  }
0xa1: {  	s6 =	ssub.s32 $0x0, s20;
	[sflag:s22] =	ssyncset.done $0x0  }
0xa2: {  	[sflag:s22] =	ssyncadd.s32 s6;
	_ =	sdelay $0x1  }
0xa3: {  	s23 =	simm.s32 $0x1B8B  }
0xa4: {  	_ =	swait.ge [sflag:s23], $0x1  }
0xa5: {  	[sflag:s23] =	ssyncset.done $0x0  }
0xa6: {  	s25 =	simm.s32 $0x1B8E;
	s24 =	sld [smem:$0x3FFE];
	[sflag:s23] =	ssyncadd.s32 $0xFFFFFFFF  }
0xa7: {  	s26 =	simm.s32 $execute0_lowered;
	[smem:$0x3FD2] =	sst s25  }
0xa8: {  	s7 =	sshll.u32 s26, $0x1;
	_ =	strace $0x80000046;
	[dreg:$0x1] =	wrdreg $0xFFFFFFFF  }
0xa9: {  	s28 =	simm.s32 $_size_execute0_lowered;
	s5 =	sadd.s32 s5, s7;
	[dreg:$0x0] =	wrdreg $0x0  }
0xaa: {  	s7 =	sshll.u32 s28, $0x1;
	[dreg:$0x2] =	wrdreg s5  }
0xab: {  	[dreg:$0x3] =	wrdreg s7  }
0xac: {  	[dreg:$0x4] =	wrdreg $0xC0  }
0xad: {  	_ =	task [dreg:s9], $0x5FFFF  }
0xae: {  	[dreg:$0x1] =	wrdreg $0xFFFFFFFF  }
0xaf: {  	[dreg:$0x0] =	wrdreg $0x60  }
0xb0: {  	[dreg:$0x2] =	wrdreg s2  }
0xb1: {  	[dreg:$0x3] =	wrdreg s18  }
0xb2: {  	[dreg:$0x4] =	wrdreg s4  }
0xb3: {  	[dreg:$0x5] =	wrdreg s24  }
0xb4: {  	[dreg:$0x6] =	wrdreg $0x9  }
0xb5: {  	_ =	task.clear_ibuf [dreg:s9], $0x7FFFF;
	_ =	strace $0x90000046  }
0xb6: {  	s29 =	simm.s32 $0x9;
	_ =	strace $0x80000048  }
0xb7: {  	_ =	swait.ge [sflag:s29], $0x1  }
0xb8: {  	[sflag:s29] =	ssyncadd.s32 $0xFFFFFFFF  }
0xb9: {  	_ =	strace $0x90000048  }
0xba: {  	_ =	sfence  }
0xbb: {  	s30 =	sld [smem:$0x0];
	_ =	sdelay $0x2  }
0xbc: {  	s31 =	sshll.u32 s1, $0xD;
	s1 =	sshrl.u32 s1, $0x2  }
0xbd: {  	s3 =	sand.u32 $0x4000, s31;
	s1 =	sadd.s32 s1, s30  }
0xbe: {  	s0 =	sor.u32 s3, s0;
	s1 =	sshll.u32 s1, $0x11  }
0xbf: {  	s0 =	sor.u32 s1, s0  }
0xc0: {  	s0 =	sadd.s32 $0x8F2B, s0  }
0xc1: {  	[sflag:s0] =	ssyncadd.remote.s32 $0x1  }
0xc2: {  	_ =	sfence.sel $0xFFFF  }
0xc3: {  	[dreg:$0x0] =	wrdreg $0xFFFFFFFF;
	(pc) =	sbr.abs _section_cstart, $3  }
0xc4: {  	[dreg:$0x1] =	wrdreg $0xFFFFFFFF  }
0xc5: {  	_ =	task.clear_ibuf [dreg:s9], $0x2FFFF;
	_ =	strace $0x9FFFFFFF  }
0xc6: {  	(tm) =	ssettm $0x7FFFFFFF  }
0xc7: {  	_ =	shalt  }
tec
execute0_lowered:
.L_overlay_start_1:
0x0: {  	(tag) =	ssettag $0x1  }
0x1: {  	s0 =	rddreg [dreg:$0x0]  }
0x2: {  	s1 =	rddreg [dreg:$0x1]  }
0x3: {  	s2 =	rddreg [dreg:$0x2]  }
0x4: {  	s4 =	rddreg [dreg:$0x3];
	s3 =	simm.s32 $0x0  }
0x5: {  	s7 =	stileid.u32;
	s5 =	srdreg.scid;
	s11 =	simm.s32 $0x80  }
0x6: {  	s12 =	simm.s32 $0x400;
	s31 =	simm.s32 $0x12080;
	s16 =	simm.s32 $0x3  }
0x7: {  	s17 =	simm.s32 $0x4;
	s21 =	simm.s32 $0x0;
	[smem:$0x7FF] =	sst s3  }
0x8: {  	s5 =	sand.u32 $0x1, s5;
	s6 =	sshll.u32 s7, $0x1;
	s24 =	sshll.u32 s7, $0x8  }
0x9: {  	s7 =	sadd.s32 $0x200, s2;
	s29 =	sadd.s32 $0x1E00, s4;
	_ =	strace $0x80000047  }
0xa: {  	s9 =	sor.u32 s5, s6;
	s5 =	ssub.s32 $0x2, s5;
	s8 =	sand.u32 $0xC00, s24  }
0xb: {  	[dreg:$0x8] =	wrdreg s29;
	s25 =	sshll.u32 s9, $0x4;
	s10 =	sshrl.u32 s5, $0x1  }
0xc: {  	s8 =	sadd.s32 s8, s4;
	p0 =	sne.s32 s9, $0x0;
	s9 =	simm.s32 $0x0  }
0xd: {  	s6 =	sor.u32 s24, s25;
	s5 =	ssub.s32 s5, s10;
	s28 =	sand.u32 $0x70, s25  }
.Ltmp0:
0xe: {  	s6 =	sand.u32 $0xE30, s6;
	s30 =	smax.u32 s5, $0x1;
	(pc) =	sbr.rel .LBB2_1-.Ltmp0, $4  }
0xf: {  	s0 =	sadd.s32 s0, s6;
	s26 =	sadd.s32 s1, s6;
	[dreg:$0x9] =	wrdreg s30  }
0x10: {  	v0 =	vimm.f32 $0.0e+00;
	v1 =	vimm.s32 $0x0;
	v4 =	vlaneseq.u32;
	s6 =	sadd.s32 $0x100, s2;
	[dreg:$0x5] =	wrdreg s0;
	s0 =	sadd.s32 s28, s8  }
0x11: {  	vm1 =	vmmov $0xffff;
	v2 =	vand.u32 $0x7, v4;
	v3 =	vshrl.u32 v4, $0x3;
	s1 =	simm.s32 $0x2;
	[dreg:$0x6] =	wrdreg s26;
	s0 =	sadd.s32 $0xE00, s0  }
0x12: {  	v4 =	vor.u32 $0x8, v4;
	v3 =	vmul.u32 $0x8, v3;
	vm0 =	vmmov @!p0 $0xffff;
	s8 =	sadd.s32 $0x300, s2;
	[dreg:$0x7] =	wrdreg s0;
	s0 =	simm.s32 $0x1  }
.LBB2_16:
0x13: {  	s4 =	rddreg [dreg:$0x7];
	s11 =	simm.s32 $0x80  }
0x14: {  	s12 =	simm.s32 $0x400;
	s5 =	simm.s32 $0x12880;
	s28 =	simm.s32 $0x6  }
0x15: {  	[hbm4b:s4+s11] =	stream.strided.scatter [tilespmem:s5], [sflag:$0x6], $0x400, s12, s11, $0x38;
	[tilespmem:$0x12C80] =	vst v63  }
0x16: {  	_ =	swait.ge [sflag:s28], $0x400  }
0x17: {  	[sflag:s28] =	ssyncset.done $0x0  }
0x18: {  	s4 =	simm.s32 @!p0 $0x5;
	[sflag:s28] =	ssyncadd.s32 $0xFFFFFC00  }
0x19: {  	_ =	swait.ge @!p0 [sflag:s4], $0x2000  }
0x1a: {  	s5 =	simm.s32 @!p0 $0x880;
	[sflag:s4] =	ssyncset.done @!p0 $0x0  }
0x1b: {  	s10 =	rddreg [dreg:$0x8];
	[sflag:s4] =	ssyncadd.s32 @!p0 $0xFFFFE000;
	s4 =	simm.s32 @!p0 $0x0  }
0x1c: {  	[hbm4b:s10+s4] =	stream.linear.scatter @!p0 [tilespmem:s5], [sflag:$0x6], $0x80, $0x38;
	[tilespmem:$0x12C80] =	vst v63  }
0x1d: {  	s9 =	simm.s32 @!p0 $0xC80;
	s5 =	sadd.s32 @!p0 $0x80, s10  }
0x1e: {  	[hbm4b:s5+s4] =	stream.linear.scatter @!p0 [tilespmem:s9], [sflag:$0x6], $0x80, $0x38;
	[tilespmem:$0x12C80] =	vst v63  }
0x1f: {  	s5 =	sadd.s32 @!p0 $0x100, s10;
	s9 =	simm.s32 @!p0 $0x1080  }
0x20: {  	[hbm4b:s5+s4] =	stream.linear.scatter @!p0 [tilespmem:s9], [sflag:$0x6], $0x80, $0x38;
	[tilespmem:$0x12C80] =	vst v63  }
0x21: {  	s5 =	sadd.s32 @!p0 $0x180, s10;
	s9 =	simm.s32 @!p0 $0x1480  }
0x22: {  	[hbm4b:s5+s4] =	stream.linear.scatter @!p0 [tilespmem:s9], [sflag:$0x6], $0x80, $0x38;
	[tilespmem:$0x12C80] =	vst v63  }
0x23: {  	s5 =	sadd.s32 @!p0 $0x200, s10;
	s9 =	simm.s32 @!p0 $0x1880  }
0x24: {  	[hbm4b:s5+s4] =	stream.linear.scatter @!p0 [tilespmem:s9], [sflag:$0x6], $0x80, $0x38;
	[tilespmem:$0x12C80] =	vst v63  }
0x25: {  	s5 =	sadd.s32 @!p0 $0x280, s10;
	s9 =	simm.s32 @!p0 $0x1C80  }
0x26: {  	[hbm4b:s5+s4] =	stream.linear.scatter @!p0 [tilespmem:s9], [sflag:$0x6], $0x80, $0x38;
	[tilespmem:$0x12C80] =	vst v63  }
0x27: {  	s5 =	sadd.s32 @!p0 $0x300, s10;
	s9 =	simm.s32 @!p0 $0x2080  }
0x28: {  	[hbm4b:s5+s4] =	stream.linear.scatter @!p0 [tilespmem:s9], [sflag:$0x6], $0x80, $0x38;
	[tilespmem:$0x12C80] =	vst v63  }
0x29: {  	s5 =	sadd.s32 @!p0 $0x380, s10;
	s9 =	simm.s32 @!p0 $0x2480  }
0x2a: {  	[hbm4b:s5+s4] =	stream.linear.scatter @!p0 [tilespmem:s9], [sflag:$0x6], $0x80, $0x38;
	[tilespmem:$0x12C80] =	vst v63  }
0x2b: {  	s4 =	simm.s32 @!p0 $0x6  }
0x2c: {  	_ =	swait.ge @!p0 [sflag:s4], $0x400  }
0x2d: {  	s29 =	rddreg [dreg:$0xa]  }
0x2e: {  	s30 =	rddreg [dreg:$0x9];
	s9 =	sadd.s32 $0x1, s29  }
0x2f: {  	p1 =	sne.s32 s9, s30  }
.Ltmp1:
0x30: {  	_ = 	snop;
	(pc) =	sbr.rel @!p1 .LBB2_17-.Ltmp1, $3  }
0x31: {  	_ =	sdelay $0x1  }
0x32: {  	[sflag:s4] =	ssyncset.done @!p0 $0x0  }
0x33: {  	[sflag:s4] =	ssyncadd.s32 @!p0 $0xFFFFFC00  }
.LBB2_1:
0x34: {  	[dreg:$0xa] =	wrdreg s9  }
0x35: {  	s4 =	rddreg [dreg:$0x5];
	s5 =	simm.s32 $0x200  }
0x36: {  	[tilespmem:s3], [sflag:$0x5] =	stream.strided.gather [hbm4b:s4+s11], $0x400, s5, s11, $0x38;
	[tilespmem:$0x12C80] =	vst v63  }
0x37: {  	s30 =	rddreg [dreg:$0x6];
	s4 =	simm.s32 $0x128A0  }
0x38: {  	[tilespmem:s12], [sflag:$0x5] =	stream.strided.gather [hbm4b:s30+s11], $0x400, s5, s11, $0x38;
	[tilespmem:$0x12C80] =	vst v63  }
0x39: {  	[tilespmem:s4+$0xFFFFFFE0] =	vst v0  }
0x3a: {  	[tilespmem:s4+$0x10] =	vst v0  }
0x3b: {  	s5 =	simm.s32 $0x0;
	[tilespmem:s4+$0x0] =	vst v0  }
.LBB2_2:
0x3c: {  	s5 =	sadd.s32 $0x4, s5  }
0x3d: {  	[tilespmem:s4+$0xFFFFFFF0] =	vst v0;
	s4 =	sadd.s32 $0x40, s4;
	p1 =	slt.u32 s5, $0x3C  }
.Ltmp2:
0x3e: {  	[tilespmem:s4+$0xFFFFFFE0] =	vst v0;
	(pc) =	sbr.rel @p1 .LBB2_2-.Ltmp2, $3  }
0x3f: {  	_ =	sdelay $0x1  }
0x40: {  	[tilespmem:s4+$0x10] =	vst v0  }
0x41: {  	[tilespmem:s4+$0x0] =	vst v0  }
0x42: {  	[tilespmem:s4+$0xFFFFFFF0] =	vst v0  }
0x43: {  	s29 =	simm.s32 $0x5;
	[tilespmem:$0x800] =	vst v1  }
0x44: {  	_ =	swait.ge [sflag:s29], $0x400  }
0x45: {  	[sflag:s29] =	ssyncset.done $0x0  }
0x46: {  	[sflag:s29] =	ssyncadd.s32 $0xFFFFFC00  }
0x47: {  	_ =	swait.ge [sflag:s29], $0x400  }
0x48: {  	[sflag:s29] =	ssyncset.done $0x0  }
0x49: {  	[sflag:s29] =	ssyncadd.s32 $0xFFFFFC00  }
0x4a: {  	v5 =	vld.msk @!p0 [tilespmem:$0x800], $0xff;
	_ =	sdelay $0x4  }
0x4b: {  	v6 =	vshll.u32 @!p0 v5, $0x3  }
0x4c: {  	v7 =	vlaneseq.u32 @!p0;
	v5 =	vand.u32 @!p0 $0x7, v5;
	v6 =	vand.u32 @!p0 $0xFFFFFFC0, v6  }
0x4d: {  	v5 =	vor.u32 @!p0 v5, v6;
	v6 =	vand.u32 @!p0 $0x7, v7;
	v7 =	vshrl.u32 @!p0 v7, $0x3  }
0x4e: {  	v5 =	vperm.xlane @!p0 v5, v6;
	v6 =	vmul.u32 @!p0 $0x8, v7;
	_ =	sdelay $0x1  }
0x4f: {  	v5 =	vadd.s32 @!p0 v6, v5;
	_ =	sdelay $0x3  }
0x50: {  	s4 =	simm.s32 @!p0 $0x0;
	s5 =	simm.s32 @!p0 $0x880  }
0x51: {  	[tilespmem:s5], [sflag:$0x5] =	stream.indirect_vreg.gather @!p0 [hbm4b:s2+s4], $0x80, v5, vm0, $0xb8;
	[tilespmem:$0x12C80] =	vst v63  }
0x52: {  	s5 =	simm.s32 @!p0 $0x1080  }
0x53: {  	[tilespmem:s5], [sflag:$0x5] =	stream.indirect_vreg.gather @!p0 [hbm4b:s6+s4], $0x80, v5, vm0, $0xb8;
	[tilespmem:$0x12C80] =	vst v63  }
0x54: {  	s5 =	simm.s32 @!p0 $0x1880  }
0x55: {  	[tilespmem:s5], [sflag:$0x5] =	stream.indirect_vreg.gather @!p0 [hbm4b:s7+s4], $0x80, v5, vm0, $0xb8;
	[tilespmem:$0x12C80] =	vst v63  }
0x56: {  	s30 =	simm.s32 $0x420;
	s5 =	simm.s32 @!p0 $0x2080  }
0x57: {  	[tilespmem:s5], [sflag:$0x5] =	stream.indirect_vreg.gather @!p0 [hbm4b:s8+s4], $0x80, v5, vm0, $0xb8;
	[tilespmem:$0x12C80] =	vst v63  }
0x58: {  	s4 =	simm.s32 $0x20;
	v8 =	vld [tilespmem:s30+$0x10]  }
0x59: {  	v9 =	vld [tilespmem:s4+$0x10]  }
0x5a: {  	v10 =	vld [tilespmem:s30+$0xFFFFFFF0]  }
0x5b: {  	v5 =	vld [tilespmem:s30+$0x0]  }
0x5c: {  	v6 =	vld [tilespmem:s30+$0xFFFFFFE0]  }
0x5d: {  	v7 =	vld [tilespmem:s4+$0xFFFFFFE0];
	vm2 =	veq.s32 v8, $0x0  }
0x5e: {  	v8 =	vld [tilespmem:s4+$0xFFFFFFF0];
	v11 =	vsel vm2, $0x0, v9  }
0x5f: {  	s9 =	simm.s32 $0x0;
	s10 =	simm.s32 $0x460;
	s5 =	simm.s32 $0x20;
	vm2 =	veq.s32 v10, $0x0;
	v9 =	vld [tilespmem:s4+$0x0];
	[tilespmem:s4+$0x10] =	vst v11  }
.LBB2_4:
0x60: {  	v10 =	vld [tilespmem:s10+$0x10];
	s9 =	sadd.s32 $0x4, s9;
	vm3 =	veq.s32 v5, $0x0;
	s4 =	sadd.s32 $0x40, s4  }
0x61: {  	v11 =	vld [tilespmem:s4+$0x10];
	p1 =	slt.u32 s9, $0x3C;
	vm4 =	veq.s32 v6, $0x0  }
0x62: {  	v12 =	vld [tilespmem:s10+$0xFFFFFFF0];
	v6 =	vsel vm4, $0x0, v7  }
.Ltmp3:
0x63: {  	v5 =	vld [tilespmem:s10+$0x0];
	[tilespmem:s5+$0xFFFFFFE0] =	vst v6;
	v7 =	vsel vm2, $0x0, v8;
	(pc) =	sbr.rel @p1 .LBB2_4-.Ltmp3, $4  }
0x64: {  	v6 =	vld [tilespmem:s10+$0xFFFFFFE0];
	[tilespmem:s5+$0xFFFFFFF0] =	vst v7;
	v8 =	vsel vm3, $0x0, v9  }
0x65: {  	v7 =	vld [tilespmem:s4+$0xFFFFFFE0];
	vm2 =	veq.s32 v10, $0x0;
	[tilespmem:s5+$0x0] =	vst v8;
	s5 =	smov.u32 s4  }
0x66: {  	v8 =	vld [tilespmem:s4+$0xFFFFFFF0];
	v10 =	vsel vm2, $0x0, v11  }
0x67: {  	s10 =	sadd.s32 $0x40, s10;
	vm2 =	veq.s32 v12, $0x0;
	v9 =	vld [tilespmem:s4+$0x0];
	[tilespmem:s4+$0x10] =	vst v10  }
0x68: {  	_ = 	snop  }
0x69: {  	vm3 =	veq.s32 v6, $0x0  }
0x6a: {  	v6 =	vsel vm3, $0x0, v7  }
0x6b: {  	vm3 =	veq.s32 v5, $0x0;
	[tilespmem:s5+$0xFFFFFFE0] =	vst v6;
	v5 =	vsel vm2, $0x0, v8  }
0x6c: {  	[tilespmem:s5+$0xFFFFFFF0] =	vst v5;
	v5 =	vsel vm3, $0x0, v9  }
0x6d: {  	[tilespmem:s5+$0x0] =	vst v5  }
0x6e: {  	v5 =	vld [tilespmem:$0x0];
	_ =	sdelay $0x4  }
0x6f: {  	v6 =	vshll.u32 v5, $0x3  }
0x70: {  	v5 =	vand.u32 $0x7, v5;
	v6 =	vand.u32 $0xFFFFFFC0, v6  }
0x71: {  	v5 =	vor.u32 v5, v6  }
0x72: {  	v6 =	vperm.xlane v5, v2;
	_ =	sdelay $0x1  }
0x73: {  	v6 =	vadd.s32 v3, v6;
	_ =	sdelay $0x3  }
0x74: {  	s4 =	simm.s32 $0x2880  }
0x75: {  	[tilespmem:s4], [sflag:$0x1] =	stream.indirect_vreg.gather [hbm4b:s2+s21], $0x80, v6, vm1, $0xb8;
	[tilespmem:$0x12C80] =	vst v63  }
0x76: {  	s18 =	simm.s32 $0x3080;
	v5 =	vperm.xlane v5, v4  }
0x77: {  	[tilespmem:s18], [sflag:$0x1] =	stream.indirect_vreg.gather [hbm4b:s6+s21], $0x80, v6, vm1, $0xb8;
	[tilespmem:$0x12C80] =	vst v63  }
0x78: {  	s19 =	simm.s32 $0x3880;
	v5 =	vadd.s32 v3, v5  }
0x79: {  	[tilespmem:s19], [sflag:$0x1] =	stream.indirect_vreg.gather [hbm4b:s7+s21], $0x80, v6, vm1, $0xb8;
	[tilespmem:$0x12C80] =	vst v63  }
0x7a: {  	s20 =	simm.s32 $0x4080  }
0x7b: {  	[tilespmem:s20], [sflag:$0x1] =	stream.indirect_vreg.gather [hbm4b:s8+s21], $0x80, v6, vm1, $0xb8;
	[tilespmem:$0x12C80] =	vst v63  }
0x7c: {  	s22 =	simm.s32 $0x4880  }
0x7d: {  	[tilespmem:s22], [sflag:$0x1] =	stream.indirect_vreg.gather [hbm4b:s2+s21], $0x80, v5, vm1, $0xb8;
	[tilespmem:$0x12C80] =	vst v63  }
0x7e: {  	s23 =	simm.s32 $0x5080  }
0x7f: {  	[tilespmem:s23], [sflag:$0x1] =	stream.indirect_vreg.gather [hbm4b:s6+s21], $0x80, v5, vm1, $0xb8;
	[tilespmem:$0x12C80] =	vst v63  }
0x80: {  	s24 =	simm.s32 $0x5880  }
0x81: {  	[tilespmem:s24], [sflag:$0x1] =	stream.indirect_vreg.gather [hbm4b:s7+s21], $0x80, v5, vm1, $0xb8;
	[tilespmem:$0x12C80] =	vst v63  }
0x82: {  	s25 =	simm.s32 $0x6080  }
0x83: {  	[tilespmem:s25], [sflag:$0x1] =	stream.indirect_vreg.gather [hbm4b:s8+s21], $0x80, v5, vm1, $0xb8;
	[tilespmem:$0x12C80] =	vst v63  }
0x84: {  	v5 =	vld [tilespmem:$0x10];
	_ =	sdelay $0x4  }
0x85: {  	v6 =	vshll.u32 v5, $0x3  }
0x86: {  	v5 =	vand.u32 $0x7, v5;
	v6 =	vand.u32 $0xFFFFFFC0, v6  }
0x87: {  	v5 =	vor.u32 v5, v6  }
0x88: {  	v6 =	vperm.xlane v5, v2;
	_ =	sdelay $0x1  }
0x89: {  	v6 =	vadd.s32 v3, v6;
	_ =	sdelay $0x3  }
0x8a: {  	s26 =	simm.s32 $0x6880  }
0x8b: {  	[tilespmem:s26], [sflag:$0x2] =	stream.indirect_vreg.gather [hbm4b:s2+s21], $0x80, v6, vm1, $0xb8;
	[tilespmem:$0x12C80] =	vst v63  }
0x8c: {  	s28 =	simm.s32 $0x7080;
	v5 =	vperm.xlane v5, v4  }
0x8d: {  	[tilespmem:s28], [sflag:$0x2] =	stream.indirect_vreg.gather [hbm4b:s6+s21], $0x80, v6, vm1, $0xb8;
	[tilespmem:$0x12C80] =	vst v63  }
0x8e: {  	s29 =	simm.s32 $0x7880;
	v5 =	vadd.s32 v3, v5  }
0x8f: {  	[tilespmem:s29], [sflag:$0x2] =	stream.indirect_vreg.gather [hbm4b:s7+s21], $0x80, v6, vm1, $0xb8;
	[tilespmem:$0x12C80] =	vst v63  }
0x90: {  	s30 =	simm.s32 $0x8080  }
0x91: {  	[tilespmem:s30], [sflag:$0x2] =	stream.indirect_vreg.gather [hbm4b:s8+s21], $0x80, v6, vm1, $0xb8;
	[tilespmem:$0x12C80] =	vst v63  }
0x92: {  	s5 =	simm.s32 $0x8880  }
0x93: {  	[tilespmem:s5], [sflag:$0x2] =	stream.indirect_vreg.gather [hbm4b:s2+s21], $0x80, v5, vm1, $0xb8;
	[tilespmem:$0x12C80] =	vst v63  }
0x94: {  	s9 =	simm.s32 $0x9080  }
0x95: {  	[tilespmem:s9], [sflag:$0x2] =	stream.indirect_vreg.gather [hbm4b:s6+s21], $0x80, v5, vm1, $0xb8;
	[tilespmem:$0x12C80] =	vst v63  }
0x96: {  	s10 =	simm.s32 $0x9880  }
0x97: {  	[tilespmem:s10], [sflag:$0x2] =	stream.indirect_vreg.gather [hbm4b:s7+s21], $0x80, v5, vm1, $0xb8;
	[tilespmem:$0x12C80] =	vst v63  }
0x98: {  	s11 =	simm.s32 $0xA080  }
0x99: {  	[tilespmem:s11], [sflag:$0x2] =	stream.indirect_vreg.gather [hbm4b:s8+s21], $0x80, v5, vm1, $0xb8;
	[tilespmem:$0x12C80] =	vst v63  }
0x9a: {  	v5 =	vld [tilespmem:$0x20];
	_ =	sdelay $0x4  }
0x9b: {  	v6 =	vshll.u32 v5, $0x3  }
0x9c: {  	v5 =	vand.u32 $0x7, v5;
	v6 =	vand.u32 $0xFFFFFFC0, v6  }
0x9d: {  	v5 =	vor.u32 v5, v6  }
0x9e: {  	v6 =	vperm.xlane v5, v2;
	_ =	sdelay $0x1  }
0x9f: {  	v6 =	vadd.s32 v3, v6;
	_ =	sdelay $0x3  }
0xa0: {  	s12 =	simm.s32 $0xA880  }
0xa1: {  	[tilespmem:s12], [sflag:$0x3] =	stream.indirect_vreg.gather [hbm4b:s2+s21], $0x80, v6, vm1, $0xb8;
	[tilespmem:$0x12C80] =	vst v63  }
0xa2: {  	s13 =	simm.s32 $0xB080;
	v5 =	vperm.xlane v5, v4  }
0xa3: {  	[tilespmem:s13], [sflag:$0x3] =	stream.indirect_vreg.gather [hbm4b:s6+s21], $0x80, v6, vm1, $0xb8;
	[tilespmem:$0x12C80] =	vst v63  }
0xa4: {  	s14 =	simm.s32 $0xB880;
	v5 =	vadd.s32 v3, v5  }
0xa5: {  	[tilespmem:s14], [sflag:$0x3] =	stream.indirect_vreg.gather [hbm4b:s7+s21], $0x80, v6, vm1, $0xb8;
	[tilespmem:$0x12C80] =	vst v63  }
0xa6: {  	s15 =	simm.s32 $0xC080  }
0xa7: {  	[tilespmem:s15], [sflag:$0x3] =	stream.indirect_vreg.gather [hbm4b:s8+s21], $0x80, v6, vm1, $0xb8;
	[tilespmem:$0x12C80] =	vst v63  }
0xa8: {  	s18 =	simm.s32 $0xC880  }
0xa9: {  	[tilespmem:s18], [sflag:$0x3] =	stream.indirect_vreg.gather [hbm4b:s2+s21], $0x80, v5, vm1, $0xb8;
	[tilespmem:$0x12C80] =	vst v63  }
0xaa: {  	s19 =	simm.s32 $0xD080  }
0xab: {  	[tilespmem:s19], [sflag:$0x3] =	stream.indirect_vreg.gather [hbm4b:s6+s21], $0x80, v5, vm1, $0xb8;
	[tilespmem:$0x12C80] =	vst v63  }
0xac: {  	s20 =	simm.s32 $0xD880  }
0xad: {  	[tilespmem:s20], [sflag:$0x3] =	stream.indirect_vreg.gather [hbm4b:s7+s21], $0x80, v5, vm1, $0xb8;
	[tilespmem:$0x12C80] =	vst v63  }
0xae: {  	s22 =	simm.s32 $0xE080  }
0xaf: {  	[tilespmem:s22], [sflag:$0x3] =	stream.indirect_vreg.gather [hbm4b:s8+s21], $0x80, v5, vm1, $0xb8;
	[tilespmem:$0x12C80] =	vst v63  }
0xb0: {  	v5 =	vld [tilespmem:$0x30];
	_ =	sdelay $0x4  }
0xb1: {  	v6 =	vshll.u32 v5, $0x3  }
0xb2: {  	v5 =	vand.u32 $0x7, v5;
	v6 =	vand.u32 $0xFFFFFFC0, v6  }
0xb3: {  	v5 =	vor.u32 v5, v6  }
0xb4: {  	v6 =	vperm.xlane v5, v2;
	_ =	sdelay $0x1  }
0xb5: {  	v6 =	vadd.s32 v3, v6;
	_ =	sdelay $0x3  }
0xb6: {  	s23 =	simm.s32 $0xE880  }
0xb7: {  	[tilespmem:s23], [sflag:$0x4] =	stream.indirect_vreg.gather [hbm4b:s2+s21], $0x80, v6, vm1, $0xb8;
	[tilespmem:$0x12C80] =	vst v63  }
0xb8: {  	s24 =	simm.s32 $0xF080;
	v5 =	vperm.xlane v5, v4  }
0xb9: {  	[tilespmem:s24], [sflag:$0x4] =	stream.indirect_vreg.gather [hbm4b:s6+s21], $0x80, v6, vm1, $0xb8;
	[tilespmem:$0x12C80] =	vst v63  }
0xba: {  	s25 =	simm.s32 $0xF880;
	v5 =	vadd.s32 v3, v5  }
0xbb: {  	[tilespmem:s25], [sflag:$0x4] =	stream.indirect_vreg.gather [hbm4b:s7+s21], $0x80, v6, vm1, $0xb8;
	[tilespmem:$0x12C80] =	vst v63  }
0xbc: {  	s26 =	simm.s32 $0x10080  }
0xbd: {  	[tilespmem:s26], [sflag:$0x4] =	stream.indirect_vreg.gather [hbm4b:s8+s21], $0x80, v6, vm1, $0xb8;
	[tilespmem:$0x12C80] =	vst v63  }
0xbe: {  	s28 =	simm.s32 $0x10880  }
0xbf: {  	[tilespmem:s28], [sflag:$0x4] =	stream.indirect_vreg.gather [hbm4b:s2+s21], $0x80, v5, vm1, $0xb8;
	[tilespmem:$0x12C80] =	vst v63  }
0xc0: {  	s29 =	simm.s32 $0x11080  }
0xc1: {  	[tilespmem:s29], [sflag:$0x4] =	stream.indirect_vreg.gather [hbm4b:s6+s21], $0x80, v5, vm1, $0xb8;
	[tilespmem:$0x12C80] =	vst v63  }
0xc2: {  	s30 =	simm.s32 $0x11880  }
0xc3: {  	[tilespmem:s30], [sflag:$0x4] =	stream.indirect_vreg.gather [hbm4b:s7+s21], $0x80, v5, vm1, $0xb8;
	[tilespmem:$0x12C80] =	vst v63  }
0xc4: {  	s22 =	simm.s32 $0x0  }
0xc5: {  	[tilespmem:s31], [sflag:$0x4] =	stream.indirect_vreg.gather [hbm4b:s8+s21], $0x80, v5, vm1, $0xb8;
	[tilespmem:$0x12C80] =	vst v63  }
.LBB2_6:
0xc6: {  	_ =	swait.ge [sflag:s0], $0x4000;
	s9 =	sand.u32 $0x60, s21;
	s5 =	sand.u32 $0x1C00, s21  }
0xc7: {  	[sflag:s0] =	ssyncset.done $0x0;
	s10 =	sadd.s32 $0x2880, s5;
	s4 =	sor.u32 $0x10, s9  }
0xc8: {  	[sflag:s0] =	ssyncadd.s32 $0xFFFFC000;
	s11 =	sor.u32 s4, s10  }
0xc9: {  	v5 =	vld [tilespmem:s11+$0x0]  }
0xca: {  	v6 =	vld [tilespmem:s11+$0x80]  }
0xcb: {  	v7 =	vld [tilespmem:s11+$0x100]  }
0xcc: {  	v8 =	vld [tilespmem:s11+$0x180]  }
0xcd: {  	v9 =	vld [tilespmem:s11+$0x200]  }
0xce: {  	v10 =	vld [tilespmem:s11+$0x280]  }
0xcf: {  	s12 =	sadd.s32 $0x4880, s5;
	v11 =	vld [tilespmem:s11+$0x300]  }
0xd0: {  	s13 =	sadd.s32 $0x4900, s5;
	s24 =	sor.u32 s4, s12;
	v12 =	vld [tilespmem:s11+$0x380]  }
0xd1: {  	s14 =	sadd.s32 $0x4980, s5;
	s25 =	sor.u32 s4, s13;
	v13 =	vld [tilespmem:s24+$0x0]  }
0xd2: {  	s15 =	sadd.s32 $0x4A00, s5;
	s26 =	sor.u32 s4, s14;
	v14 =	vld [tilespmem:s25+$0x0]  }
0xd3: {  	s18 =	sadd.s32 $0x4A80, s5;
	s28 =	sor.u32 s4, s15;
	v15 =	vld [tilespmem:s26+$0x0]  }
0xd4: {  	s19 =	sadd.s32 $0x4B00, s5;
	s29 =	sor.u32 s4, s18;
	v16 =	vld [tilespmem:s28+$0x0]  }
0xd5: {  	s30 =	sor.u32 s4, s19;
	v17 =	vld [tilespmem:s29+$0x0]  }
0xd6: {  	s10 =	sor.u32 s9, s10;
	v18 =	vld [tilespmem:s30+$0x0]  }
0xd7: {  	s20 =	sadd.s32 $0x4B80, s5;
	v21 =	vld [tilespmem:s10+$0x0]  }
0xd8: {  	s23 =	sadd.s32 $0x4C00, s5;
	s24 =	sor.u32 s4, s20;
	v22 =	vld [tilespmem:s10+$0x80]  }
0xd9: {  	s25 =	sor.u32 s4, s23;
	v19 =	vld [tilespmem:s24+$0x0]  }
0xda: {  	v20 =	vld [tilespmem:s25+$0x0]  }
0xdb: {  	v5 =	vadd.f32 v13, v5;
	v13 =	vld [tilespmem:s10+$0x100]  }
0xdc: {  	v6 =	vadd.f32 v14, v6;
	v14 =	vld [tilespmem:s10+$0x180]  }
0xdd: {  	v7 =	vadd.f32 v15, v7;
	v8 =	vadd.f32 v16, v8;
	v15 =	vld [tilespmem:s10+$0x200]  }
0xde: {  	s30 =	sor.u32 s9, s15;
	s15 =	sor.u32 s9, s20;
	v9 =	vadd.f32 v17, v9;
	v10 =	vadd.f32 v18, v10;
	v16 =	vld [tilespmem:s10+$0x280]  }
0xdf: {  	s26 =	sor.u32 s9, s12;
	s12 =	sor.u32 s9, s18;
	s18 =	sor.u32 s9, s23;
	v17 =	vld [tilespmem:s15+$0x0];
	v11 =	vadd.f32 v19, v11;
	v12 =	vadd.f32 v20, v12  }
0xe0: {  	v18 =	vld [tilespmem:s18+$0x0];
	v5 =	vadd.f32 v6, v5;
	v6 =	vadd.f32 v8, v7  }
0xe1: {  	v7 =	vld [tilespmem:s10+$0x300];
	v8 =	vadd.f32 v10, v9;
	v9 =	vadd.f32 v12, v11  }
0xe2: {  	v10 =	vld [tilespmem:s10+$0x380]  }
0xe3: {  	s28 =	sor.u32 s9, s13;
	s13 =	sor.u32 s9, s19;
	v11 =	vld [tilespmem:s26+$0x0];
	v5 =	vadd.f32 v6, v5;
	v6 =	vadd.f32 v9, v8  }
0xe4: {  	v12 =	vld [tilespmem:s13+$0x0]  }
0xe5: {  	s29 =	sor.u32 s9, s14;
	s11 =	sand.u32 $0x380, s21;
	v8 =	vld [tilespmem:s28+$0x0];
	v5 =	vadd.f32 v6, v5  }
0xe6: {  	s5 =	simm.s32 $0x20;
	s14 =	simm.s32 $0x100;
	s4 =	sor.u32 s4, s11;
	v9 =	vld [tilespmem:s29+$0x0]  }
0xe7: {  	s10 =	sand.u32 $0x1C00, s14;
	[tilespmem:s4+$0x12880] =	vst.add.f32.msk $0xffff, v5;
	s4 =	sand.u32 $0x60, s5  }
0xe8: {  	s11 =	sadd.s32 $0x2880, s10;
	v6 =	vld [tilespmem:s30+$0x0];
	s9 =	sor.u32 $0x10, s4  }
0xe9: {  	v5 =	vld [tilespmem:s12+$0x0];
	s19 =	sor.u32 s9, s11  }
0xea: {  	v19 =	vld [tilespmem:s19+$0x0]  }
0xeb: {  	v42 =	vld [tilespmem:s19+$0x80]  }
0xec: {  	v23 =	vld [tilespmem:s19+$0x100]  }
0xed: {  	v24 =	vld [tilespmem:s19+$0x180]  }
0xee: {  	v25 =	vld [tilespmem:s19+$0x200]  }
0xef: {  	v26 =	vld [tilespmem:s19+$0x280]  }
0xf0: {  	s13 =	sadd.s32 $0x4880, s10;
	v27 =	vld [tilespmem:s19+$0x300]  }
0xf1: {  	s14 =	sadd.s32 $0x4900, s10;
	s20 =	sor.u32 s9, s13;
	v28 =	vld [tilespmem:s19+$0x380]  }
0xf2: {  	s15 =	sadd.s32 $0x4980, s10;
	s23 =	sor.u32 s9, s14;
	v29 =	vld [tilespmem:s20+$0x0]  }
0xf3: {  	s18 =	sadd.s32 $0x4A00, s10;
	s24 =	sor.u32 s9, s15;
	v30 =	vld [tilespmem:s23+$0x0]  }
0xf4: {  	v11 =	vadd.f32 v11, v21;
	v8 =	vadd.f32 v8, v22;
	s25 =	sor.u32 s9, s18;
	v31 =	vld [tilespmem:s24+$0x0]  }
0xf5: {  	s11 =	sor.u32 s4, s11;
	v32 =	vld [tilespmem:s25+$0x0]  }
0xf6: {  	s19 =	sadd.s32 $0x4A80, s10;
	v8 =	vadd.f32 v8, v11;
	v11 =	vld [tilespmem:s11+$0x0]  }
0xf7: {  	s20 =	sadd.s32 $0x4B00, s10;
	v6 =	vadd.f32 v6, v14;
	v14 =	vld [tilespmem:s11+$0x80];
	s26 =	sor.u32 s9, s19  }
0xf8: {  	s23 =	sadd.s32 $0x4B80, s10;
	s28 =	sor.u32 s9, s20;
	v33 =	vld [tilespmem:s26+$0x0]  }
0xf9: {  	s10 =	sadd.s32 $0x4C00, s10;
	s29 =	sor.u32 s9, s23;
	v34 =	vld [tilespmem:s28+$0x0]  }
0xfa: {  	v7 =	vadd.f32 v17, v7;
	v10 =	vadd.f32 v18, v10;
	s30 =	sor.u32 s9, s10;
	v43 =	vld [tilespmem:s29+$0x0]  }
0xfb: {  	v12 =	vadd.f32 v12, v16;
	v9 =	vadd.f32 v9, v13;
	v13 =	vld [tilespmem:s30+$0x0]  }
0xfc: {  	v7 =	vadd.f32 v10, v7;
	v44 =	vld [tilespmem:s11+$0x100];
	v5 =	vadd.f32 v5, v15  }
0xfd: {  	v45 =	vld [tilespmem:s11+$0x180];
	v19 =	vadd.f32 v29, v19;
	v20 =	vadd.f32 v30, v42  }
0xfe: {  	v46 =	vld [tilespmem:s11+$0x200];
	v23 =	vadd.f32 v31, v23;
	v24 =	vadd.f32 v32, v24  }
0xff: {  	v47 =	vld [tilespmem:s11+$0x280];
	v25 =	vadd.f32 v33, v25;
	v26 =	vadd.f32 v34, v26  }
0x100: {  	s13 =	sor.u32 s4, s13;
	v49 =	vld [tilespmem:s11+$0x300];
	v21 =	vadd.f32 v43, v27;
	v13 =	vadd.f32 v13, v28  }
0x101: {  	s14 =	sor.u32 s4, s14;
	v16 =	vld [tilespmem:s13+$0x0];
	v19 =	vadd.f32 v20, v19;
	v48 =	vadd.f32 v24, v23  }
0x102: {  	v17 =	vld [tilespmem:s14+$0x0];
	s24 =	sor.u32 s4, s18;
	v50 =	vadd.f32 v26, v25;
	v13 =	vadd.f32 v13, v21  }
0x103: {  	v10 =	vld [tilespmem:s24+$0x0];
	v6 =	vadd.f32 v6, v9;
	v5 =	vadd.f32 v12, v5  }
0x104: {  	s15 =	sor.u32 s4, s15;
	v15 =	vld [tilespmem:s11+$0x380];
	v19 =	vadd.f32 v48, v19;
	v13 =	vadd.f32 v13, v50  }
0x105: {  	v9 =	vld [tilespmem:s15+$0x0];
	s26 =	sor.u32 s4, s20;
	v6 =	vadd.f32 v6, v8  }
0x106: {  	s5 =	sand.u32 $0x380, s5;
	s28 =	sor.u32 s4, s23;
	v8 =	vld [tilespmem:s26+$0x0];
	v5 =	vadd.f32 v7, v5;
	v13 =	vadd.f32 v13, v19  }
0x107: {  	s5 =	sor.u32 s9, s5;
	s13 =	simm.s32 $0x12880;
	v12 =	vld [tilespmem:s28+$0x0]  }
0x108: {  	s25 =	sor.u32 s4, s19;
	s29 =	simm.s32 $0x200;
	v5 =	vadd.f32 v5, v6;
	[tilespmem:s5+$0x12880] =	vst.add.f32.msk $0xffff, v13;
	s5 =	simm.s32 $0x40  }
0x109: {  	s10 =	sor.u32 s4, s10;
	s30 =	sand.u32 $0x1C00, s29;
	v7 =	vld [tilespmem:s25+$0x0];
	s4 =	sand.u32 $0x60, s5  }
0x10a: {  	s14 =	sadd.s32 $0x2880, s30;
	[tilespmem:s13+$0x0] =	vst.add.f32.msk $0xffff, v5;
	s9 =	sor.u32 $0x10, s4  }
0x10b: {  	v13 =	vld [tilespmem:s10+$0x0];
	s19 =	sor.u32 s9, s14  }
0x10c: {  	v5 =	vld [tilespmem:s19+$0x0]  }
0x10d: {  	v6 =	vld [tilespmem:s19+$0x80]  }
0x10e: {  	v18 =	vld [tilespmem:s19+$0x100]  }
0x10f: {  	v19 =	vld [tilespmem:s19+$0x180]  }
0x110: {  	v51 =	vld [tilespmem:s19+$0x200]  }
0x111: {  	v52 =	vld [tilespmem:s19+$0x280]  }
0x112: {  	s15 =	sadd.s32 $0x4880, s30;
	v53 =	vld [tilespmem:s19+$0x300]  }
0x113: {  	s18 =	sadd.s32 $0x4900, s30;
	s20 =	sor.u32 s9, s15;
	v54 =	vld [tilespmem:s19+$0x380]  }
0x114: {  	s11 =	sadd.s32 $0x4A80, s30;
	s23 =	sor.u32 s9, s18;
	v55 =	vld [tilespmem:s20+$0x0]  }
0x115: {  	s10 =	sadd.s32 $0x4B00, s30;
	s26 =	sor.u32 s9, s11;
	v56 =	vld [tilespmem:s23+$0x0]  }
0x116: {  	s28 =	sor.u32 s9, s10;
	s19 =	sadd.s32 $0x4980, s30;
	v59 =	vld [tilespmem:s26+$0x0]  }
0x117: {  	v11 =	vadd.f32 v16, v11;
	s20 =	sadd.s32 $0x4A00, s30;
	v16 =	vld [tilespmem:s28+$0x0];
	s24 =	sor.u32 s9, s19  }
0x118: {  	s12 =	sadd.s32 $0x4C00, s30;
	v14 =	vadd.f32 v17, v14;
	v10 =	vadd.f32 v10, v45;
	s25 =	sor.u32 s9, s20;
	v57 =	vld [tilespmem:s24+$0x0]  }
0x119: {  	v9 =	vadd.f32 v9, v44;
	v12 =	vadd.f32 v12, v49;
	v58 =	vld [tilespmem:s25+$0x0];
	s24 =	sadd.s32 $0x4B80, s30;
	s30 =	sor.u32 s9, s12  }
0x11a: {  	v60 =	vadd.f32 v7, v46;
	v13 =	vadd.f32 v13, v15;
	s29 =	sor.u32 s9, s24;
	v7 =	vld [tilespmem:s30+$0x0]  }
0x11b: {  	v14 =	vadd.f32 v14, v11;
	v29 =	vadd.f32 v10, v9;
	s14 =	sor.u32 s4, s14;
	v17 =	vld [tilespmem:s29+$0x0]  }
0x11c: {  	v27 =	vadd.f32 v8, v47;
	v61 =	vld [tilespmem:s14+$0x0];
	v13 =	vadd.f32 v13, v12  }
0x11d: {  	v62 =	vld [tilespmem:s14+$0x80];
	v5 =	vadd.f32 v55, v5;
	v10 =	vadd.f32 v56, v6  }
0x11e: {  	v8 =	vld [tilespmem:s14+$0x100];
	v16 =	vadd.f32 v16, v52;
	v11 =	vadd.f32 v57, v18  }
0x11f: {  	s15 =	sor.u32 s4, s15;
	v9 =	vld [tilespmem:s14+$0x180];
	v18 =	vadd.f32 v58, v19;
	v19 =	vadd.f32 v59, v51  }
0x120: {  	v15 =	vld [tilespmem:s15+$0x0];
	s26 =	sor.u32 s4, s19;
	v63 =	vadd.f32 v7, v54;
	v17 =	vadd.f32 v17, v53  }
0x121: {  	v12 =	vld [tilespmem:s26+$0x0];
	v5 =	vadd.f32 v10, v5;
	v18 =	vadd.f32 v18, v11  }
0x122: {  	v6 =	vld [tilespmem:s14+$0x200];
	v16 =	vadd.f32 v16, v19;
	v17 =	vadd.f32 v63, v17  }
0x123: {  	v10 =	vld [tilespmem:s14+$0x300]  }
0x124: {  	s25 =	sor.u32 s4, s18;
	v7 =	vld [tilespmem:s14+$0x280];
	v5 =	vadd.f32 v18, v5;
	v16 =	vadd.f32 v17, v16  }
0x125: {  	v18 =	vld [tilespmem:s25+$0x0];
	v17 =	vadd.f32 v27, v60  }
0x126: {  	s5 =	sand.u32 $0x380, s5;
	s28 =	sor.u32 s4, s20;
	v11 =	vld [tilespmem:s14+$0x380];
	v5 =	vadd.f32 v16, v5  }
0x127: {  	v14 =	vadd.f32 v29, v14;
	s5 =	sor.u32 s9, s5;
	v16 =	vadd.f32 v13, v17;
	v13 =	vld [tilespmem:s28+$0x0]  }
0x128: {  	s29 =	sor.u32 s4, s11;
	[tilespmem:s5+$0x12880] =	vst.add.f32.msk $0xffff, v5  }
0x129: {  	s19 =	sor.u32 s4, s12;
	s30 =	sor.u32 s4, s10;
	s15 =	sor.u32 s4, s24;
	v5 =	vadd.f32 v16, v14;
	v14 =	vld [tilespmem:s29+$0x0]  }
0x12a: {  	s4 =	simm.s32 $0x300;
	s14 =	simm.s32 $0x4;
	v17 =	vadd.f32 v18, v62;
	v16 =	vadd.f32 v15, v61;
	v15 =	vld [tilespmem:s30+$0x0];
	s5 =	simm.s32 $0x60  }
.LBB2_7:
0x12b: {  	s12 =	sand.u32 $0x60, s5;
	s20 =	sand.u32 $0x1C00, s4;
	v8 =	vadd.f32 v12, v8;
	v12 =	vld [tilespmem:s15+$0x0]  }
0x12c: {  	s13 =	sadd.s32 $0x20, s13;
	s10 =	sadd.s32 $0x2880, s20;
	s9 =	sor.u32 $0x10, s12;
	v9 =	vadd.f32 v13, v9;
	v13 =	vld [tilespmem:s19+$0x0];
	v16 =	vadd.f32 v17, v16  }
0x12d: {  	s11 =	sor.u32 s12, s10;
	s10 =	sor.u32 s9, s10;
	[tilespmem:s13+$0x0] =	vst.add.f32.msk $0xffff, v5  }
0x12e: {  	v17 =	vld [tilespmem:s10+$0x0];
	v5 =	vadd.f32 v14, v6;
	v6 =	vadd.f32 v9, v8  }
0x12f: {  	v8 =	vld [tilespmem:s10+$0x80];
	v7 =	vadd.f32 v15, v7  }
0x130: {  	v9 =	vld [tilespmem:s10+$0x100];
	v10 =	vadd.f32 v12, v10;
	v6 =	vadd.f32 v6, v16  }
0x131: {  	v12 =	vld [tilespmem:s10+$0x180];
	v11 =	vadd.f32 v13, v11;
	v5 =	vadd.f32 v7, v5  }
0x132: {  	v7 =	vld [tilespmem:s10+$0x200]  }
0x133: {  	v13 =	vld [tilespmem:s10+$0x280];
	v10 =	vadd.f32 v11, v10  }
0x134: {  	s15 =	sadd.s32 $0x4880, s20;
	v11 =	vld [tilespmem:s10+$0x300]  }
0x135: {  	s19 =	sadd.s32 $0x4900, s20;
	s18 =	sor.u32 s12, s15;
	s15 =	sor.u32 s9, s15;
	v14 =	vld [tilespmem:s10+$0x380];
	v5 =	vadd.f32 v10, v5  }
0x136: {  	s24 =	sadd.s32 $0x4980, s20;
	s10 =	sor.u32 s12, s19;
	v10 =	vld [tilespmem:s15+$0x0];
	s15 =	sor.u32 s9, s19  }
0x137: {  	s23 =	sor.u32 s12, s24;
	s19 =	sadd.s32 $0x4A00, s20;
	v15 =	vld [tilespmem:s15+$0x0];
	s15 =	sor.u32 s9, s24;
	v5 =	vadd.f32 v5, v6  }
0x138: {  	s26 =	sadd.s32 $0x4A80, s20;
	s25 =	sor.u32 s12, s19;
	v6 =	vld [tilespmem:s15+$0x0];
	s15 =	sor.u32 s9, s19  }
0x139: {  	s24 =	sor.u32 s12, s26;
	s19 =	sadd.s32 $0x4B00, s20;
	v16 =	vld [tilespmem:s15+$0x0];
	s15 =	sor.u32 s9, s26  }
0x13a: {  	s14 =	sadd.s32 $0x2, s14;
	s26 =	sadd.s32 $0x4B80, s20;
	v18 =	vld [tilespmem:s15+$0x0];
	s15 =	sor.u32 s9, s19  }
0x13b: {  	p1 =	slt.u32 s14, $0x3E;
	s20 =	sadd.s32 $0x4C00, s20;
	s28 =	sor.u32 s9, s26;
	v19 =	vld [tilespmem:s15+$0x0]  }
0x13c: {  	s29 =	sor.u32 s12, s19;
	s15 =	sor.u32 s12, s26;
	s26 =	sor.u32 s9, s20;
	v20 =	vld [tilespmem:s28+$0x0]  }
0x13d: {  	s19 =	sor.u32 s12, s20;
	v21 =	vld [tilespmem:s26+$0x0]  }
0x13e: {  	v22 =	vld [tilespmem:s11+$0x0]  }
0x13f: {  	v10 =	vadd.f32 v10, v17;
	v15 =	vadd.f32 v15, v8;
	v23 =	vld [tilespmem:s11+$0x80]  }
0x140: {  	v17 =	vadd.f32 v6, v9;
	v12 =	vadd.f32 v16, v12;
	v8 =	vld [tilespmem:s11+$0x100]  }
0x141: {  	v16 =	vadd.f32 v18, v7;
	v13 =	vadd.f32 v19, v13;
	v9 =	vld [tilespmem:s11+$0x180]  }
0x142: {  	v11 =	vadd.f32 v20, v11;
	v6 =	vld [tilespmem:s11+$0x200];
	v14 =	vadd.f32 v21, v14  }
0x143: {  	v15 =	vadd.f32 v15, v10;
	v12 =	vadd.f32 v12, v17;
	v7 =	vld [tilespmem:s11+$0x280]  }
0x144: {  	v13 =	vadd.f32 v13, v16;
	v10 =	vld [tilespmem:s11+$0x300];
	v14 =	vadd.f32 v14, v11  }
0x145: {  	v11 =	vld [tilespmem:s11+$0x380]  }
0x146: {  	v15 =	vadd.f32 v12, v15;
	v16 =	vld [tilespmem:s18+$0x0];
	v13 =	vadd.f32 v14, v13  }
0x147: {  	v17 =	vld [tilespmem:s10+$0x0]  }
.Ltmp4:
0x148: {  	s10 =	sand.u32 $0x380, s5;
	v12 =	vld [tilespmem:s23+$0x0];
	v14 =	vadd.f32 v13, v15;
	(pc) =	sbr.rel @p1 .LBB2_7-.Ltmp4, $4  }
0x149: {  	s9 =	sor.u32 s9, s10;
	v13 =	vld [tilespmem:s25+$0x0]  }
0x14a: {  	[tilespmem:s9+$0x12880] =	vst.add.f32.msk $0xffff, v14  }
0x14b: {  	v16 =	vadd.f32 v16, v22;
	v14 =	vld [tilespmem:s24+$0x0]  }
0x14c: {  	s4 =	sadd.s32 $0x100, s4;
	s5 =	sadd.s32 $0x20, s5;
	v17 =	vadd.f32 v17, v23;
	v15 =	vld [tilespmem:s29+$0x0]  }
0x14d: {  	v18 =	vld [tilespmem:s15+$0x0]  }
0x14e: {  	v19 =	vld [tilespmem:s19+$0x0];
	_ =	sdelay $0x2  }
0x14f: {  	v8 =	vadd.f32 v12, v8;
	v9 =	vadd.f32 v13, v9  }
0x150: {  	v6 =	vadd.f32 v14, v6;
	v7 =	vadd.f32 v15, v7  }
0x151: {  	v10 =	vadd.f32 v18, v10;
	v11 =	vadd.f32 v19, v11  }
0x152: {  	v12 =	vadd.f32 v17, v16;
	v8 =	vadd.f32 v9, v8  }
0x153: {  	v6 =	vadd.f32 v7, v6;
	v7 =	vadd.f32 v11, v10;
	_ =	sdelay $0x1  }
0x154: {  	v8 =	vadd.f32 v8, v12;
	v6 =	vadd.f32 v7, v6;
	_ =	sdelay $0x1  }
0x155: {  	s4 =	sadd.s32 $0x20, s13;
	v6 =	vadd.f32 v6, v8  }
0x156: {  	s18 =	sshll.u32 s22, $0x8;
	p1 =	seq.s32 s22, $0xF;
	[tilespmem:s4+$0x0] =	vst.add.f32.msk $0xffff, v5;
	s4 =	sadd.s32 $0x20, s4  }
0x157: {  	s13 =	sshrl.u32 @!p1 s18, $0x2;
	[tilespmem:s4+$0x0] =	vst.add.f32.msk $0xffff, v6  }
0x158: {  	v5 =	vld @!p1 [tilespmem:s13+$0x40];
	_ =	sdelay $0x4  }
0x159: {  	v6 =	vshll.u32 @!p1 v5, $0x3  }
0x15a: {  	v7 =	vlaneseq.u32 @!p1;
	v5 =	vand.u32 @!p1 $0x7, v5;
	v6 =	vand.u32 @!p1 $0xFFFFFFC0, v6  }
0x15b: {  	v8 =	vshrl.u32 @!p1 v7, $0x3;
	v5 =	vor.u32 @!p1 v5, v6;
	v6 =	vand.u32 @!p1 $0x7, v7  }
0x15c: {  	v8 =	vmul.u32 @!p1 $0x8, v8;
	v6 =	vperm.xlane @!p1 v5, v6;
	_ =	sdelay $0x1  }
0x15d: {  	v6 =	vadd.s32 @!p1 v8, v6;
	_ =	sdelay $0x3  }
0x15e: {  	vm2 =	vmmov @!p1 $0xffff;
	s5 =	simm.s32 @!p1 $0x2880;
	s4 =	simm.s32 @!p1 $0x0  }
0x15f: {  	v7 =	vor.u32 @!p1 $0x8, v7;
	[tilespmem:s5], [sflag:$0x1] =	stream.indirect_vreg.gather @!p1 [hbm4b:s2+s4], $0x80, v6, vm2, $0xb8;
	[tilespmem:$0x12C80] =	vst v63  }
0x160: {  	v5 =	vperm.xlane @!p1 v5, v7;
	s5 =	simm.s32 @!p1 $0x3080  }
0x161: {  	[tilespmem:s5], [sflag:$0x1] =	stream.indirect_vreg.gather @!p1 [hbm4b:s6+s4], $0x80, v6, vm2, $0xb8;
	[tilespmem:$0x12C80] =	vst v63  }
0x162: {  	v5 =	vadd.s32 @!p1 v8, v5;
	s5 =	simm.s32 @!p1 $0x3880  }
0x163: {  	[tilespmem:s5], [sflag:$0x1] =	stream.indirect_vreg.gather @!p1 [hbm4b:s7+s4], $0x80, v6, vm2, $0xb8;
	[tilespmem:$0x12C80] =	vst v63  }
0x164: {  	s5 =	simm.s32 @!p1 $0x4080  }
0x165: {  	[tilespmem:s5], [sflag:$0x1] =	stream.indirect_vreg.gather @!p1 [hbm4b:s8+s4], $0x80, v6, vm2, $0xb8;
	[tilespmem:$0x12C80] =	vst v63  }
0x166: {  	s5 =	simm.s32 @!p1 $0x4880  }
0x167: {  	[tilespmem:s5], [sflag:$0x1] =	stream.indirect_vreg.gather @!p1 [hbm4b:s2+s4], $0x80, v5, vm2, $0xb8;
	[tilespmem:$0x12C80] =	vst v63  }
0x168: {  	s5 =	simm.s32 @!p1 $0x5080  }
0x169: {  	[tilespmem:s5], [sflag:$0x1] =	stream.indirect_vreg.gather @!p1 [hbm4b:s6+s4], $0x80, v5, vm2, $0xb8;
	[tilespmem:$0x12C80] =	vst v63  }
0x16a: {  	s5 =	simm.s32 @!p1 $0x5880  }
0x16b: {  	[tilespmem:s5], [sflag:$0x1] =	stream.indirect_vreg.gather @!p1 [hbm4b:s7+s4], $0x80, v5, vm2, $0xb8;
	[tilespmem:$0x12C80] =	vst v63  }
0x16c: {  	s5 =	simm.s32 @!p1 $0x6080  }
0x16d: {  	[tilespmem:s5], [sflag:$0x1] =	stream.indirect_vreg.gather @!p1 [hbm4b:s8+s4], $0x80, v5, vm2, $0xb8;
	[tilespmem:$0x12C80] =	vst v63  }
0x16e: {  	s4 =	simm.s32 $0x0  }
0x16f: {  	_ =	swait.ge [sflag:s1], $0x4000;
	s9 =	sand.u32 $0x60, s4;
	s10 =	sand.u32 $0x1C00, s4  }
0x170: {  	[sflag:s1] =	ssyncset.done $0x0;
	s11 =	sadd.s32 $0x6880, s10;
	s5 =	sor.u32 $0x10, s9  }
0x171: {  	[sflag:s1] =	ssyncadd.s32 $0xFFFFC000;
	s12 =	sor.u32 s5, s11  }
0x172: {  	v5 =	vld [tilespmem:s12+$0x0]  }
0x173: {  	v6 =	vld [tilespmem:s12+$0x80]  }
0x174: {  	v7 =	vld [tilespmem:s12+$0x100]  }
0x175: {  	v8 =	vld [tilespmem:s12+$0x180]  }
0x176: {  	v9 =	vld [tilespmem:s12+$0x200]  }
0x177: {  	v10 =	vld [tilespmem:s12+$0x280]  }
0x178: {  	s14 =	sadd.s32 $0x8880, s10;
	v11 =	vld [tilespmem:s12+$0x300]  }
0x179: {  	s15 =	sadd.s32 $0x8900, s10;
	s20 =	sor.u32 s5, s14;
	v12 =	vld [tilespmem:s12+$0x380]  }
0x17a: {  	s19 =	sadd.s32 $0x8980, s10;
	s23 =	sor.u32 s5, s15;
	v13 =	vld [tilespmem:s20+$0x0]  }
0x17b: {  	s24 =	sor.u32 s5, s19;
	v14 =	vld [tilespmem:s23+$0x0]  }
0x17c: {  	s11 =	sor.u32 s9, s11;
	v15 =	vld [tilespmem:s24+$0x0]  }
0x17d: {  	s20 =	sadd.s32 $0x8A00, s10;
	v21 =	vld [tilespmem:s11+$0x0]  }
0x17e: {  	s23 =	sadd.s32 $0x8A80, s10;
	v22 =	vld [tilespmem:s11+$0x80];
	s25 =	sor.u32 s5, s20  }
0x17f: {  	s24 =	sadd.s32 $0x8B00, s10;
	s26 =	sor.u32 s5, s23;
	v16 =	vld [tilespmem:s25+$0x0]  }
0x180: {  	s28 =	sor.u32 s5, s24;
	s25 =	sadd.s32 $0x8B80, s10;
	v17 =	vld [tilespmem:s26+$0x0]  }
0x181: {  	s10 =	sadd.s32 $0x8C00, s10;
	v18 =	vld [tilespmem:s28+$0x0];
	s29 =	sor.u32 s5, s25  }
0x182: {  	s30 =	sor.u32 s5, s10;
	v19 =	vld [tilespmem:s29+$0x0]  }
0x183: {  	v20 =	vld [tilespmem:s30+$0x0]  }
0x184: {  	v5 =	vadd.f32 v13, v5;
	v13 =	vld [tilespmem:s11+$0x100]  }
0x185: {  	v6 =	vadd.f32 v14, v6;
	v14 =	vld [tilespmem:s11+$0x180]  }
0x186: {  	v7 =	vadd.f32 v15, v7;
	v15 =	vld [tilespmem:s11+$0x200];
	v8 =	vadd.f32 v16, v8  }
0x187: {  	s30 =	sor.u32 s9, s20;
	s20 =	sor.u32 s9, s25;
	v9 =	vadd.f32 v17, v9;
	v10 =	vadd.f32 v18, v10;
	v16 =	vld [tilespmem:s11+$0x280]  }
0x188: {  	s10 =	sor.u32 s9, s10;
	v17 =	vld [tilespmem:s20+$0x0];
	v11 =	vadd.f32 v19, v11;
	v12 =	vadd.f32 v20, v12  }
0x189: {  	v5 =	vadd.f32 v6, v5;
	v18 =	vld [tilespmem:s10+$0x0];
	v6 =	vadd.f32 v8, v7  }
0x18a: {  	v7 =	vld [tilespmem:s11+$0x300];
	v8 =	vadd.f32 v10, v9;
	v9 =	vadd.f32 v12, v11  }
0x18b: {  	s26 =	sor.u32 s9, s14;
	v10 =	vld [tilespmem:s11+$0x380]  }
0x18c: {  	s28 =	sor.u32 s9, s15;
	s15 =	sor.u32 s9, s24;
	v11 =	vld [tilespmem:s26+$0x0];
	v5 =	vadd.f32 v6, v5;
	v6 =	vadd.f32 v9, v8  }
0x18d: {  	v12 =	vld [tilespmem:s15+$0x0]  }
0x18e: {  	s4 =	sand.u32 $0x380, s4;
	s29 =	sor.u32 s9, s19;
	v8 =	vld [tilespmem:s28+$0x0];
	v5 =	vadd.f32 v6, v5  }
0x18f: {  	s4 =	sor.u32 s5, s4;
	s5 =	simm.s32 $0x20;
	s19 =	simm.s32 $0x100;
	v9 =	vld [tilespmem:s29+$0x0]  }
0x190: {  	s11 =	sand.u32 $0x1C00, s19;
	[tilespmem:s4+$0x12880] =	vst.add.f32.msk $0xffff, v5;
	s4 =	sand.u32 $0x60, s5  }
0x191: {  	s14 =	sor.u32 s9, s23;
	s12 =	sadd.s32 $0x6880, s11;
	v6 =	vld [tilespmem:s30+$0x0];
	s9 =	sor.u32 $0x10, s4  }
0x192: {  	v5 =	vld [tilespmem:s14+$0x0];
	s23 =	sor.u32 s9, s12  }
0x193: {  	v19 =	vld [tilespmem:s23+$0x0]  }
0x194: {  	v42 =	vld [tilespmem:s23+$0x80]  }
0x195: {  	v23 =	vld [tilespmem:s23+$0x100]  }
0x196: {  	v24 =	vld [tilespmem:s23+$0x180]  }
0x197: {  	v25 =	vld [tilespmem:s23+$0x200]  }
0x198: {  	v26 =	vld [tilespmem:s23+$0x280]  }
0x199: {  	s14 =	sadd.s32 $0x8880, s11;
	v27 =	vld [tilespmem:s23+$0x300]  }
0x19a: {  	s15 =	sadd.s32 $0x8900, s11;
	s24 =	sor.u32 s9, s14;
	v28 =	vld [tilespmem:s23+$0x380]  }
0x19b: {  	s19 =	sadd.s32 $0x8980, s11;
	s25 =	sor.u32 s9, s15;
	v29 =	vld [tilespmem:s24+$0x0]  }
0x19c: {  	s20 =	sadd.s32 $0x8A00, s11;
	s26 =	sor.u32 s9, s19;
	v30 =	vld [tilespmem:s25+$0x0]  }
0x19d: {  	v11 =	vadd.f32 v11, v21;
	v8 =	vadd.f32 v8, v22;
	s28 =	sor.u32 s9, s20;
	v31 =	vld [tilespmem:s26+$0x0]  }
0x19e: {  	s12 =	sor.u32 s4, s12;
	v32 =	vld [tilespmem:s28+$0x0]  }
0x19f: {  	v8 =	vadd.f32 v8, v11;
	v11 =	vld [tilespmem:s12+$0x0]  }
0x1a0: {  	s23 =	sadd.s32 $0x8A80, s11;
	v6 =	vadd.f32 v6, v14;
	v14 =	vld [tilespmem:s12+$0x80]  }
0x1a1: {  	s24 =	sadd.s32 $0x8B00, s11;
	v44 =	vld [tilespmem:s12+$0x100];
	s29 =	sor.u32 s9, s23  }
0x1a2: {  	s25 =	sadd.s32 $0x8B80, s11;
	s26 =	sor.u32 s9, s24;
	v33 =	vld [tilespmem:s29+$0x0]  }
0x1a3: {  	s10 =	sadd.s32 $0x8C00, s11;
	s30 =	sor.u32 s9, s25;
	v34 =	vld [tilespmem:s26+$0x0]  }
0x1a4: {  	v7 =	vadd.f32 v17, v7;
	v10 =	vadd.f32 v18, v10;
	v43 =	vld [tilespmem:s30+$0x0];
	s26 =	sor.u32 s9, s10  }
0x1a5: {  	v12 =	vadd.f32 v12, v16;
	v9 =	vadd.f32 v9, v13;
	v13 =	vld [tilespmem:s26+$0x0]  }
0x1a6: {  	v7 =	vadd.f32 v10, v7;
	v45 =	vld [tilespmem:s12+$0x180];
	v5 =	vadd.f32 v5, v15  }
0x1a7: {  	v46 =	vld [tilespmem:s12+$0x200];
	v19 =	vadd.f32 v29, v19;
	v20 =	vadd.f32 v30, v42  }
0x1a8: {  	v47 =	vld [tilespmem:s12+$0x280];
	v23 =	vadd.f32 v31, v23;
	v24 =	vadd.f32 v32, v24  }
0x1a9: {  	v49 =	vld [tilespmem:s12+$0x300];
	s28 =	sor.u32 s4, s14;
	v25 =	vadd.f32 v33, v25;
	v26 =	vadd.f32 v34, v26  }
0x1aa: {  	s14 =	sor.u32 s4, s20;
	v16 =	vld [tilespmem:s28+$0x0];
	v21 =	vadd.f32 v43, v27;
	v13 =	vadd.f32 v13, v28  }
0x1ab: {  	v10 =	vld [tilespmem:s14+$0x0];
	v19 =	vadd.f32 v20, v19;
	v48 =	vadd.f32 v24, v23  }
0x1ac: {  	v15 =	vld [tilespmem:s12+$0x380];
	s29 =	sor.u32 s4, s15;
	v50 =	vadd.f32 v26, v25;
	v13 =	vadd.f32 v13, v21  }
0x1ad: {  	s30 =	sor.u32 s4, s19;
	v6 =	vadd.f32 v6, v9;
	v17 =	vld [tilespmem:s29+$0x0];
	v5 =	vadd.f32 v12, v5  }
0x1ae: {  	s19 =	sor.u32 s4, s24;
	v9 =	vld [tilespmem:s30+$0x0];
	v19 =	vadd.f32 v48, v19;
	v13 =	vadd.f32 v13, v50  }
0x1af: {  	s20 =	sor.u32 s4, s25;
	v6 =	vadd.f32 v6, v8;
	v8 =	vld [tilespmem:s19+$0x0];
	v5 =	vadd.f32 v7, v5  }
0x1b0: {  	s5 =	sand.u32 $0x380, s5;
	s15 =	sor.u32 s4, s23;
	v12 =	vld [tilespmem:s20+$0x0];
	v13 =	vadd.f32 v13, v19  }
0x1b1: {  	s5 =	sor.u32 s9, s5;
	s23 =	simm.s32 $0x200;
	s9 =	simm.s32 $0x40;
	v7 =	vld [tilespmem:s15+$0x0];
	v5 =	vadd.f32 v5, v6  }
0x1b2: {  	s14 =	simm.s32 $0x12880;
	s12 =	sand.u32 $0x1C00, s23;
	[tilespmem:s5+$0x12880] =	vst.add.f32.msk $0xffff, v13;
	s5 =	sand.u32 $0x60, s9  }
0x1b3: {  	s10 =	sor.u32 s4, s10;
	s15 =	sadd.s32 $0x6880, s12;
	[tilespmem:s14+$0x0] =	vst.add.f32.msk $0xffff, v5;
	s4 =	sor.u32 $0x10, s5  }
0x1b4: {  	v13 =	vld [tilespmem:s10+$0x0];
	s24 =	sor.u32 s4, s15  }
0x1b5: {  	v5 =	vld [tilespmem:s24+$0x0]  }
0x1b6: {  	v6 =	vld [tilespmem:s24+$0x80]  }
0x1b7: {  	v18 =	vld [tilespmem:s24+$0x100]  }
0x1b8: {  	v19 =	vld [tilespmem:s24+$0x180]  }
0x1b9: {  	v51 =	vld [tilespmem:s24+$0x200]  }
0x1ba: {  	v52 =	vld [tilespmem:s24+$0x280]  }
0x1bb: {  	s19 =	sadd.s32 $0x8880, s12;
	v53 =	vld [tilespmem:s24+$0x300]  }
0x1bc: {  	s20 =	sadd.s32 $0x8900, s12;
	s25 =	sor.u32 s4, s19;
	v54 =	vld [tilespmem:s24+$0x380]  }
0x1bd: {  	s23 =	sadd.s32 $0x8980, s12;
	s26 =	sor.u32 s4, s20;
	v55 =	vld [tilespmem:s25+$0x0]  }
0x1be: {  	s11 =	sadd.s32 $0x8A80, s12;
	s28 =	sor.u32 s4, s23;
	v56 =	vld [tilespmem:s26+$0x0]  }
0x1bf: {  	s10 =	sadd.s32 $0x8B00, s12;
	s30 =	sor.u32 s4, s11;
	v57 =	vld [tilespmem:s28+$0x0]  }
0x1c0: {  	v11 =	vadd.f32 v16, v11;
	s24 =	sadd.s32 $0x8A00, s12;
	v59 =	vld [tilespmem:s30+$0x0];
	s28 =	sor.u32 s4, s10  }
0x1c1: {  	v10 =	vadd.f32 v10, v45;
	v14 =	vadd.f32 v17, v14;
	s26 =	sadd.s32 $0x8B80, s12;
	s12 =	sadd.s32 $0x8C00, s12;
	s29 =	sor.u32 s4, s24;
	v16 =	vld [tilespmem:s28+$0x0]  }
0x1c2: {  	v9 =	vadd.f32 v9, v44;
	v12 =	vadd.f32 v12, v49;
	s30 =	sor.u32 s4, s12;
	v58 =	vld [tilespmem:s29+$0x0]  }
0x1c3: {  	v60 =	vadd.f32 v7, v46;
	s29 =	sor.u32 s4, s26;
	v7 =	vld [tilespmem:s30+$0x0];
	v13 =	vadd.f32 v13, v15  }
0x1c4: {  	v27 =	vadd.f32 v8, v47;
	v14 =	vadd.f32 v14, v11;
	s15 =	sor.u32 s5, s15;
	v17 =	vld [tilespmem:s29+$0x0]  }
0x1c5: {  	v29 =	vadd.f32 v10, v9;
	v61 =	vld [tilespmem:s15+$0x0];
	v13 =	vadd.f32 v13, v12  }
0x1c6: {  	v62 =	vld [tilespmem:s15+$0x80];
	v5 =	vadd.f32 v55, v5;
	v10 =	vadd.f32 v56, v6  }
0x1c7: {  	v8 =	vld [tilespmem:s15+$0x100];
	v11 =	vadd.f32 v57, v18;
	v16 =	vadd.f32 v16, v52  }
0x1c8: {  	s19 =	sor.u32 s5, s19;
	v9 =	vld [tilespmem:s15+$0x180];
	v18 =	vadd.f32 v58, v19;
	v19 =	vadd.f32 v59, v51  }
0x1c9: {  	s25 =	sor.u32 s5, s23;
	v15 =	vld [tilespmem:s19+$0x0];
	v63 =	vadd.f32 v7, v54;
	v17 =	vadd.f32 v17, v53  }
0x1ca: {  	v12 =	vld [tilespmem:s25+$0x0];
	v5 =	vadd.f32 v10, v5;
	v18 =	vadd.f32 v18, v11  }
0x1cb: {  	v6 =	vld [tilespmem:s15+$0x200];
	v16 =	vadd.f32 v16, v19;
	v17 =	vadd.f32 v63, v17  }
0x1cc: {  	v7 =	vld [tilespmem:s15+$0x280]  }
0x1cd: {  	s20 =	sor.u32 s5, s20;
	v10 =	vld [tilespmem:s15+$0x300];
	v5 =	vadd.f32 v18, v5;
	v16 =	vadd.f32 v17, v16  }
0x1ce: {  	v18 =	vld [tilespmem:s20+$0x0];
	v17 =	vadd.f32 v27, v60  }
0x1cf: {  	s9 =	sand.u32 $0x380, s9;
	s28 =	sor.u32 s5, s24;
	v11 =	vld [tilespmem:s15+$0x380];
	v5 =	vadd.f32 v16, v5  }
0x1d0: {  	v14 =	vadd.f32 v29, v14;
	s4 =	sor.u32 s4, s9;
	v16 =	vadd.f32 v13, v17;
	v13 =	vld [tilespmem:s28+$0x0]  }
0x1d1: {  	s29 =	sor.u32 s5, s11;
	[tilespmem:s4+$0x12880] =	vst.add.f32.msk $0xffff, v5  }
0x1d2: {  	s30 =	sor.u32 s5, s10;
	s10 =	sor.u32 s5, s12;
	s9 =	simm.s32 $0x60;
	v5 =	vadd.f32 v16, v14;
	v14 =	vld [tilespmem:s29+$0x0]  }
0x1d3: {  	s20 =	sor.u32 s5, s26;
	s5 =	simm.s32 $0x300;
	s4 =	simm.s32 $0x4;
	v16 =	vadd.f32 v15, v61;
	v17 =	vadd.f32 v18, v62;
	v15 =	vld [tilespmem:s30+$0x0]  }
.LBB2_9:
0x1d4: {  	s19 =	sand.u32 $0x60, s9;
	s24 =	sand.u32 $0x1C00, s5;
	v8 =	vadd.f32 v12, v8;
	v12 =	vld [tilespmem:s20+$0x0]  }
0x1d5: {  	s14 =	sadd.s32 $0x20, s14;
	s15 =	sadd.s32 $0x6880, s24;
	s11 =	sor.u32 $0x10, s19;
	v9 =	vadd.f32 v13, v9;
	v13 =	vld [tilespmem:s10+$0x0];
	v16 =	vadd.f32 v17, v16  }
0x1d6: {  	s12 =	sor.u32 s19, s15;
	s10 =	sor.u32 s11, s15;
	[tilespmem:s14+$0x0] =	vst.add.f32.msk $0xffff, v5  }
0x1d7: {  	v17 =	vld [tilespmem:s10+$0x0];
	v5 =	vadd.f32 v14, v6;
	v6 =	vadd.f32 v9, v8  }
0x1d8: {  	v8 =	vld [tilespmem:s10+$0x80];
	v7 =	vadd.f32 v15, v7  }
0x1d9: {  	v9 =	vld [tilespmem:s10+$0x100];
	v10 =	vadd.f32 v12, v10;
	v6 =	vadd.f32 v6, v16  }
0x1da: {  	v12 =	vld [tilespmem:s10+$0x180];
	v11 =	vadd.f32 v13, v11;
	v5 =	vadd.f32 v7, v5  }
0x1db: {  	v7 =	vld [tilespmem:s10+$0x200]  }
0x1dc: {  	v13 =	vld [tilespmem:s10+$0x280];
	v10 =	vadd.f32 v11, v10  }
0x1dd: {  	s20 =	sadd.s32 $0x8880, s24;
	v11 =	vld [tilespmem:s10+$0x300]  }
0x1de: {  	s25 =	sadd.s32 $0x8900, s24;
	s15 =	sor.u32 s19, s20;
	v14 =	vld [tilespmem:s10+$0x380];
	s10 =	sor.u32 s11, s20;
	v5 =	vadd.f32 v10, v5  }
0x1df: {  	s23 =	sor.u32 s19, s25;
	s20 =	sadd.s32 $0x8980, s24;
	v10 =	vld [tilespmem:s10+$0x0];
	s10 =	sor.u32 s11, s25  }
0x1e0: {  	s26 =	sadd.s32 $0x8A00, s24;
	s25 =	sor.u32 s19, s20;
	v15 =	vld [tilespmem:s10+$0x0];
	s10 =	sor.u32 s11, s20;
	v5 =	vadd.f32 v5, v6  }
0x1e1: {  	s28 =	sor.u32 s19, s26;
	s20 =	sadd.s32 $0x8A80, s24;
	v6 =	vld [tilespmem:s10+$0x0];
	s10 =	sor.u32 s11, s26  }
0x1e2: {  	s29 =	sadd.s32 $0x8B00, s24;
	s26 =	sor.u32 s19, s20;
	v16 =	vld [tilespmem:s10+$0x0];
	s10 =	sor.u32 s11, s20  }
0x1e3: {  	s4 =	sadd.s32 $0x2, s4;
	s20 =	sadd.s32 $0x8B80, s24;
	v18 =	vld [tilespmem:s10+$0x0];
	s10 =	sor.u32 s11, s29  }
0x1e4: {  	p2 =	slt.u32 s4, $0x3E;
	s24 =	sadd.s32 $0x8C00, s24;
	v19 =	vld [tilespmem:s10+$0x0];
	s10 =	sor.u32 s11, s20  }
0x1e5: {  	s29 =	sor.u32 s19, s29;
	s30 =	sor.u32 s11, s24;
	s20 =	sor.u32 s19, s20;
	v20 =	vld [tilespmem:s10+$0x0]  }
0x1e6: {  	s10 =	sor.u32 s19, s24;
	v21 =	vld [tilespmem:s30+$0x0]  }
0x1e7: {  	v22 =	vld [tilespmem:s12+$0x0]  }
0x1e8: {  	v10 =	vadd.f32 v10, v17;
	v15 =	vadd.f32 v15, v8;
	v23 =	vld [tilespmem:s12+$0x80]  }
0x1e9: {  	v17 =	vadd.f32 v6, v9;
	v12 =	vadd.f32 v16, v12;
	v8 =	vld [tilespmem:s12+$0x100]  }
0x1ea: {  	v16 =	vadd.f32 v18, v7;
	v13 =	vadd.f32 v19, v13;
	v9 =	vld [tilespmem:s12+$0x180]  }
0x1eb: {  	v11 =	vadd.f32 v20, v11;
	v6 =	vld [tilespmem:s12+$0x200];
	v14 =	vadd.f32 v21, v14  }
0x1ec: {  	v15 =	vadd.f32 v15, v10;
	v12 =	vadd.f32 v12, v17;
	v7 =	vld [tilespmem:s12+$0x280]  }
0x1ed: {  	v13 =	vadd.f32 v13, v16;
	v10 =	vld [tilespmem:s12+$0x300];
	v14 =	vadd.f32 v14, v11  }
0x1ee: {  	v11 =	vld [tilespmem:s12+$0x380]  }
0x1ef: {  	v15 =	vadd.f32 v12, v15;
	v16 =	vld [tilespmem:s15+$0x0];
	v13 =	vadd.f32 v14, v13  }
0x1f0: {  	v17 =	vld [tilespmem:s23+$0x0]  }
.Ltmp5:
0x1f1: {  	s12 =	sand.u32 $0x380, s9;
	v12 =	vld [tilespmem:s25+$0x0];
	v14 =	vadd.f32 v13, v15;
	(pc) =	sbr.rel @p2 .LBB2_9-.Ltmp5, $4  }
0x1f2: {  	s11 =	sor.u32 s11, s12;
	v13 =	vld [tilespmem:s28+$0x0]  }
0x1f3: {  	[tilespmem:s11+$0x12880] =	vst.add.f32.msk $0xffff, v14  }
0x1f4: {  	v16 =	vadd.f32 v16, v22;
	v14 =	vld [tilespmem:s26+$0x0]  }
0x1f5: {  	s5 =	sadd.s32 $0x100, s5;
	s9 =	sadd.s32 $0x20, s9;
	v17 =	vadd.f32 v17, v23;
	v15 =	vld [tilespmem:s29+$0x0]  }
0x1f6: {  	v18 =	vld [tilespmem:s20+$0x0]  }
0x1f7: {  	v19 =	vld [tilespmem:s10+$0x0];
	_ =	sdelay $0x2  }
0x1f8: {  	v8 =	vadd.f32 v12, v8;
	v9 =	vadd.f32 v13, v9  }
0x1f9: {  	v6 =	vadd.f32 v14, v6;
	v7 =	vadd.f32 v15, v7  }
0x1fa: {  	v10 =	vadd.f32 v18, v10;
	v11 =	vadd.f32 v19, v11  }
0x1fb: {  	v12 =	vadd.f32 v17, v16;
	v8 =	vadd.f32 v9, v8  }
0x1fc: {  	v6 =	vadd.f32 v7, v6;
	v7 =	vadd.f32 v11, v10;
	_ =	sdelay $0x1  }
0x1fd: {  	v8 =	vadd.f32 v8, v12;
	v6 =	vadd.f32 v7, v6;
	_ =	sdelay $0x1  }
0x1fe: {  	s4 =	sadd.s32 $0x20, s14;
	v6 =	vadd.f32 v6, v8  }
0x1ff: {  	[tilespmem:s4+$0x0] =	vst.add.f32.msk $0xffff, v5;
	s4 =	sadd.s32 $0x20, s4  }
0x200: {  	[tilespmem:s4+$0x0] =	vst.add.f32.msk $0xffff, v6  }
0x201: {  	v5 =	vld @!p1 [tilespmem:s13+$0x50];
	_ =	sdelay $0x4  }
0x202: {  	v6 =	vshll.u32 @!p1 v5, $0x3  }
0x203: {  	v7 =	vlaneseq.u32 @!p1;
	v5 =	vand.u32 @!p1 $0x7, v5;
	v6 =	vand.u32 @!p1 $0xFFFFFFC0, v6  }
0x204: {  	v8 =	vshrl.u32 @!p1 v7, $0x3;
	v5 =	vor.u32 @!p1 v5, v6;
	v6 =	vand.u32 @!p1 $0x7, v7  }
0x205: {  	v8 =	vmul.u32 @!p1 $0x8, v8;
	v6 =	vperm.xlane @!p1 v5, v6;
	_ =	sdelay $0x1  }
0x206: {  	v6 =	vadd.s32 @!p1 v8, v6;
	_ =	sdelay $0x3  }
0x207: {  	s5 =	simm.s32 @!p1 $0x6880;
	s4 =	simm.s32 @!p1 $0x0  }
0x208: {  	v7 =	vor.u32 @!p1 $0x8, v7;
	[tilespmem:s5], [sflag:$0x2] =	stream.indirect_vreg.gather @!p1 [hbm4b:s2+s4], $0x80, v6, vm2, $0xb8;
	[tilespmem:$0x12C80] =	vst v63  }
0x209: {  	v5 =	vperm.xlane @!p1 v5, v7;
	s5 =	simm.s32 @!p1 $0x7080  }
0x20a: {  	[tilespmem:s5], [sflag:$0x2] =	stream.indirect_vreg.gather @!p1 [hbm4b:s6+s4], $0x80, v6, vm2, $0xb8;
	[tilespmem:$0x12C80] =	vst v63  }
0x20b: {  	v5 =	vadd.s32 @!p1 v8, v5;
	s5 =	simm.s32 @!p1 $0x7880  }
0x20c: {  	[tilespmem:s5], [sflag:$0x2] =	stream.indirect_vreg.gather @!p1 [hbm4b:s7+s4], $0x80, v6, vm2, $0xb8;
	[tilespmem:$0x12C80] =	vst v63  }
0x20d: {  	s5 =	simm.s32 @!p1 $0x8080  }
0x20e: {  	[tilespmem:s5], [sflag:$0x2] =	stream.indirect_vreg.gather @!p1 [hbm4b:s8+s4], $0x80, v6, vm2, $0xb8;
	[tilespmem:$0x12C80] =	vst v63  }
0x20f: {  	s5 =	simm.s32 @!p1 $0x8880  }
0x210: {  	[tilespmem:s5], [sflag:$0x2] =	stream.indirect_vreg.gather @!p1 [hbm4b:s2+s4], $0x80, v5, vm2, $0xb8;
	[tilespmem:$0x12C80] =	vst v63  }
0x211: {  	s5 =	simm.s32 @!p1 $0x9080  }
0x212: {  	[tilespmem:s5], [sflag:$0x2] =	stream.indirect_vreg.gather @!p1 [hbm4b:s6+s4], $0x80, v5, vm2, $0xb8;
	[tilespmem:$0x12C80] =	vst v63  }
0x213: {  	s5 =	simm.s32 @!p1 $0x9880  }
0x214: {  	[tilespmem:s5], [sflag:$0x2] =	stream.indirect_vreg.gather @!p1 [hbm4b:s7+s4], $0x80, v5, vm2, $0xb8;
	[tilespmem:$0x12C80] =	vst v63  }
0x215: {  	s5 =	simm.s32 @!p1 $0xA080  }
0x216: {  	[tilespmem:s5], [sflag:$0x2] =	stream.indirect_vreg.gather @!p1 [hbm4b:s8+s4], $0x80, v5, vm2, $0xb8;
	[tilespmem:$0x12C80] =	vst v63  }
0x217: {  	s4 =	simm.s32 $0x0  }
0x218: {  	_ =	swait.ge [sflag:s16], $0x4000;
	s9 =	sand.u32 $0x60, s4;
	s30 =	sand.u32 $0x1C00, s4  }
0x219: {  	[sflag:s16] =	ssyncset.done $0x0;
	s11 =	sadd.s32 $0xA880, s30;
	s5 =	sor.u32 $0x10, s9  }
0x21a: {  	[sflag:s16] =	ssyncadd.s32 $0xFFFFC000;
	s12 =	sor.u32 s5, s11  }
0x21b: {  	v5 =	vld [tilespmem:s12+$0x0]  }
0x21c: {  	v6 =	vld [tilespmem:s12+$0x80]  }
0x21d: {  	v7 =	vld [tilespmem:s12+$0x100]  }
0x21e: {  	v8 =	vld [tilespmem:s12+$0x180]  }
0x21f: {  	v9 =	vld [tilespmem:s12+$0x200]  }
0x220: {  	v10 =	vld [tilespmem:s12+$0x280]  }
0x221: {  	s14 =	sadd.s32 $0xC880, s30;
	v11 =	vld [tilespmem:s12+$0x300]  }
0x222: {  	s15 =	sadd.s32 $0xC900, s30;
	s20 =	sor.u32 s5, s14;
	v12 =	vld [tilespmem:s12+$0x380]  }
0x223: {  	s19 =	sadd.s32 $0xC980, s30;
	s23 =	sor.u32 s5, s15;
	v13 =	vld [tilespmem:s20+$0x0]  }
0x224: {  	s24 =	sor.u32 s5, s19;
	v14 =	vld [tilespmem:s23+$0x0]  }
0x225: {  	s11 =	sor.u32 s9, s11;
	v15 =	vld [tilespmem:s24+$0x0]  }
0x226: {  	s20 =	sadd.s32 $0xCA00, s30;
	v21 =	vld [tilespmem:s11+$0x0]  }
0x227: {  	s23 =	sadd.s32 $0xCA80, s30;
	v22 =	vld [tilespmem:s11+$0x80];
	s25 =	sor.u32 s5, s20  }
0x228: {  	s24 =	sadd.s32 $0xCB00, s30;
	s26 =	sor.u32 s5, s23;
	v16 =	vld [tilespmem:s25+$0x0]  }
0x229: {  	s10 =	sadd.s32 $0xCC00, s30;
	s28 =	sor.u32 s5, s24;
	v17 =	vld [tilespmem:s26+$0x0]  }
0x22a: {  	s25 =	sadd.s32 $0xCB80, s30;
	v18 =	vld [tilespmem:s28+$0x0];
	s30 =	sor.u32 s5, s10  }
0x22b: {  	s29 =	sor.u32 s5, s25;
	v20 =	vld [tilespmem:s30+$0x0]  }
0x22c: {  	v19 =	vld [tilespmem:s29+$0x0]  }
0x22d: {  	v5 =	vadd.f32 v13, v5;
	v13 =	vld [tilespmem:s11+$0x100]  }
0x22e: {  	v6 =	vadd.f32 v14, v6;
	v14 =	vld [tilespmem:s11+$0x180]  }
0x22f: {  	v7 =	vadd.f32 v15, v7;
	v15 =	vld [tilespmem:s11+$0x200];
	v8 =	vadd.f32 v16, v8  }
0x230: {  	s30 =	sor.u32 s9, s20;
	s20 =	sor.u32 s9, s25;
	v9 =	vadd.f32 v17, v9;
	v10 =	vadd.f32 v18, v10;
	v16 =	vld [tilespmem:s11+$0x280]  }
0x231: {  	s10 =	sor.u32 s9, s10;
	v17 =	vld [tilespmem:s20+$0x0];
	v12 =	vadd.f32 v20, v12;
	v11 =	vadd.f32 v19, v11  }
0x232: {  	v5 =	vadd.f32 v6, v5;
	v18 =	vld [tilespmem:s10+$0x0];
	v6 =	vadd.f32 v8, v7  }
0x233: {  	v7 =	vld [tilespmem:s11+$0x300];
	v8 =	vadd.f32 v10, v9;
	v9 =	vadd.f32 v12, v11  }
0x234: {  	s26 =	sor.u32 s9, s14;
	v10 =	vld [tilespmem:s11+$0x380]  }
0x235: {  	s28 =	sor.u32 s9, s15;
	s15 =	sor.u32 s9, s24;
	v11 =	vld [tilespmem:s26+$0x0];
	v5 =	vadd.f32 v6, v5;
	v6 =	vadd.f32 v9, v8  }
0x236: {  	v12 =	vld [tilespmem:s15+$0x0]  }
0x237: {  	s4 =	sand.u32 $0x380, s4;
	s29 =	sor.u32 s9, s19;
	v8 =	vld [tilespmem:s28+$0x0];
	v5 =	vadd.f32 v6, v5  }
0x238: {  	s4 =	sor.u32 s5, s4;
	s5 =	simm.s32 $0x20;
	s19 =	simm.s32 $0x100;
	v9 =	vld [tilespmem:s29+$0x0]  }
0x239: {  	s11 =	sand.u32 $0x1C00, s19;
	[tilespmem:s4+$0x12880] =	vst.add.f32.msk $0xffff, v5;
	s4 =	sand.u32 $0x60, s5  }
0x23a: {  	s14 =	sor.u32 s9, s23;
	s12 =	sadd.s32 $0xA880, s11;
	v6 =	vld [tilespmem:s30+$0x0];
	s9 =	sor.u32 $0x10, s4  }
0x23b: {  	v5 =	vld [tilespmem:s14+$0x0];
	s23 =	sor.u32 s9, s12  }
0x23c: {  	v19 =	vld [tilespmem:s23+$0x0]  }
0x23d: {  	v42 =	vld [tilespmem:s23+$0x80]  }
0x23e: {  	v23 =	vld [tilespmem:s23+$0x100]  }
0x23f: {  	v24 =	vld [tilespmem:s23+$0x180]  }
0x240: {  	v25 =	vld [tilespmem:s23+$0x200]  }
0x241: {  	v26 =	vld [tilespmem:s23+$0x280]  }
0x242: {  	s14 =	sadd.s32 $0xC880, s11;
	v27 =	vld [tilespmem:s23+$0x300]  }
0x243: {  	s15 =	sadd.s32 $0xC900, s11;
	s24 =	sor.u32 s9, s14;
	v28 =	vld [tilespmem:s23+$0x380]  }
0x244: {  	s19 =	sadd.s32 $0xC980, s11;
	s25 =	sor.u32 s9, s15;
	v29 =	vld [tilespmem:s24+$0x0]  }
0x245: {  	s20 =	sadd.s32 $0xCA00, s11;
	s26 =	sor.u32 s9, s19;
	v30 =	vld [tilespmem:s25+$0x0]  }
0x246: {  	v11 =	vadd.f32 v11, v21;
	v8 =	vadd.f32 v8, v22;
	s28 =	sor.u32 s9, s20;
	v31 =	vld [tilespmem:s26+$0x0]  }
0x247: {  	s12 =	sor.u32 s4, s12;
	v32 =	vld [tilespmem:s28+$0x0]  }
0x248: {  	v8 =	vadd.f32 v8, v11;
	v11 =	vld [tilespmem:s12+$0x0]  }
0x249: {  	s23 =	sadd.s32 $0xCA80, s11;
	v6 =	vadd.f32 v6, v14;
	v14 =	vld [tilespmem:s12+$0x80]  }
0x24a: {  	s24 =	sadd.s32 $0xCB00, s11;
	v44 =	vld [tilespmem:s12+$0x100];
	s29 =	sor.u32 s9, s23  }
0x24b: {  	s25 =	sadd.s32 $0xCB80, s11;
	s26 =	sor.u32 s9, s24;
	v33 =	vld [tilespmem:s29+$0x0]  }
0x24c: {  	s10 =	sadd.s32 $0xCC00, s11;
	s30 =	sor.u32 s9, s25;
	v34 =	vld [tilespmem:s26+$0x0]  }
0x24d: {  	v7 =	vadd.f32 v17, v7;
	v10 =	vadd.f32 v18, v10;
	v43 =	vld [tilespmem:s30+$0x0];
	s26 =	sor.u32 s9, s10  }
0x24e: {  	v12 =	vadd.f32 v12, v16;
	v9 =	vadd.f32 v9, v13;
	v13 =	vld [tilespmem:s26+$0x0]  }
0x24f: {  	v7 =	vadd.f32 v10, v7;
	v45 =	vld [tilespmem:s12+$0x180];
	v5 =	vadd.f32 v5, v15  }
0x250: {  	v46 =	vld [tilespmem:s12+$0x200];
	v19 =	vadd.f32 v29, v19;
	v20 =	vadd.f32 v30, v42  }
0x251: {  	v47 =	vld [tilespmem:s12+$0x280];
	v23 =	vadd.f32 v31, v23;
	v24 =	vadd.f32 v32, v24  }
0x252: {  	v49 =	vld [tilespmem:s12+$0x300];
	s28 =	sor.u32 s4, s14;
	v25 =	vadd.f32 v33, v25;
	v26 =	vadd.f32 v34, v26  }
0x253: {  	s14 =	sor.u32 s4, s20;
	v16 =	vld [tilespmem:s28+$0x0];
	v21 =	vadd.f32 v43, v27;
	v13 =	vadd.f32 v13, v28  }
0x254: {  	v10 =	vld [tilespmem:s14+$0x0];
	v19 =	vadd.f32 v20, v19;
	v48 =	vadd.f32 v24, v23  }
0x255: {  	v15 =	vld [tilespmem:s12+$0x380];
	s29 =	sor.u32 s4, s15;
	v50 =	vadd.f32 v26, v25;
	v13 =	vadd.f32 v13, v21  }
0x256: {  	s30 =	sor.u32 s4, s19;
	v6 =	vadd.f32 v6, v9;
	v17 =	vld [tilespmem:s29+$0x0];
	v5 =	vadd.f32 v12, v5  }
0x257: {  	s19 =	sor.u32 s4, s24;
	v9 =	vld [tilespmem:s30+$0x0];
	v19 =	vadd.f32 v48, v19;
	v13 =	vadd.f32 v13, v50  }
0x258: {  	s20 =	sor.u32 s4, s25;
	v6 =	vadd.f32 v6, v8;
	v8 =	vld [tilespmem:s19+$0x0];
	v5 =	vadd.f32 v7, v5  }
0x259: {  	s5 =	sand.u32 $0x380, s5;
	s15 =	sor.u32 s4, s23;
	v12 =	vld [tilespmem:s20+$0x0];
	v13 =	vadd.f32 v13, v19  }
0x25a: {  	s5 =	sor.u32 s9, s5;
	s23 =	simm.s32 $0x200;
	s9 =	simm.s32 $0x40;
	v7 =	vld [tilespmem:s15+$0x0];
	v5 =	vadd.f32 v5, v6  }
0x25b: {  	s14 =	simm.s32 $0x12880;
	s12 =	sand.u32 $0x1C00, s23;
	[tilespmem:s5+$0x12880] =	vst.add.f32.msk $0xffff, v13;
	s5 =	sand.u32 $0x60, s9  }
0x25c: {  	s10 =	sor.u32 s4, s10;
	s15 =	sadd.s32 $0xA880, s12;
	[tilespmem:s14+$0x0] =	vst.add.f32.msk $0xffff, v5;
	s4 =	sor.u32 $0x10, s5  }
0x25d: {  	v13 =	vld [tilespmem:s10+$0x0];
	s24 =	sor.u32 s4, s15  }
0x25e: {  	v5 =	vld [tilespmem:s24+$0x0]  }
0x25f: {  	v6 =	vld [tilespmem:s24+$0x80]  }
0x260: {  	v18 =	vld [tilespmem:s24+$0x100]  }
0x261: {  	v19 =	vld [tilespmem:s24+$0x180]  }
0x262: {  	v51 =	vld [tilespmem:s24+$0x200]  }
0x263: {  	v52 =	vld [tilespmem:s24+$0x280]  }
0x264: {  	s19 =	sadd.s32 $0xC880, s12;
	v53 =	vld [tilespmem:s24+$0x300]  }
0x265: {  	s20 =	sadd.s32 $0xC900, s12;
	s25 =	sor.u32 s4, s19;
	v54 =	vld [tilespmem:s24+$0x380]  }
0x266: {  	s23 =	sadd.s32 $0xC980, s12;
	s26 =	sor.u32 s4, s20;
	v55 =	vld [tilespmem:s25+$0x0]  }
0x267: {  	s11 =	sadd.s32 $0xCA80, s12;
	s28 =	sor.u32 s4, s23;
	v56 =	vld [tilespmem:s26+$0x0]  }
0x268: {  	s10 =	sadd.s32 $0xCB00, s12;
	s30 =	sor.u32 s4, s11;
	v57 =	vld [tilespmem:s28+$0x0]  }
0x269: {  	v11 =	vadd.f32 v16, v11;
	s24 =	sadd.s32 $0xCA00, s12;
	v59 =	vld [tilespmem:s30+$0x0];
	s28 =	sor.u32 s4, s10  }
0x26a: {  	v10 =	vadd.f32 v10, v45;
	v14 =	vadd.f32 v17, v14;
	s26 =	sadd.s32 $0xCB80, s12;
	s12 =	sadd.s32 $0xCC00, s12;
	s29 =	sor.u32 s4, s24;
	v16 =	vld [tilespmem:s28+$0x0]  }
0x26b: {  	v9 =	vadd.f32 v9, v44;
	v12 =	vadd.f32 v12, v49;
	s30 =	sor.u32 s4, s12;
	v58 =	vld [tilespmem:s29+$0x0]  }
0x26c: {  	v60 =	vadd.f32 v7, v46;
	s29 =	sor.u32 s4, s26;
	v7 =	vld [tilespmem:s30+$0x0];
	v13 =	vadd.f32 v13, v15  }
0x26d: {  	v27 =	vadd.f32 v8, v47;
	v14 =	vadd.f32 v14, v11;
	s15 =	sor.u32 s5, s15;
	v17 =	vld [tilespmem:s29+$0x0]  }
0x26e: {  	v29 =	vadd.f32 v10, v9;
	v61 =	vld [tilespmem:s15+$0x0];
	v13 =	vadd.f32 v13, v12  }
0x26f: {  	v62 =	vld [tilespmem:s15+$0x80];
	v5 =	vadd.f32 v55, v5;
	v10 =	vadd.f32 v56, v6  }
0x270: {  	v8 =	vld [tilespmem:s15+$0x100];
	v11 =	vadd.f32 v57, v18;
	v16 =	vadd.f32 v16, v52  }
0x271: {  	s19 =	sor.u32 s5, s19;
	v9 =	vld [tilespmem:s15+$0x180];
	v18 =	vadd.f32 v58, v19;
	v19 =	vadd.f32 v59, v51  }
0x272: {  	s25 =	sor.u32 s5, s23;
	v15 =	vld [tilespmem:s19+$0x0];
	v63 =	vadd.f32 v7, v54;
	v17 =	vadd.f32 v17, v53  }
0x273: {  	v12 =	vld [tilespmem:s25+$0x0];
	v5 =	vadd.f32 v10, v5;
	v18 =	vadd.f32 v18, v11  }
0x274: {  	v6 =	vld [tilespmem:s15+$0x200];
	v16 =	vadd.f32 v16, v19;
	v17 =	vadd.f32 v63, v17  }
0x275: {  	v7 =	vld [tilespmem:s15+$0x280]  }
0x276: {  	s20 =	sor.u32 s5, s20;
	v10 =	vld [tilespmem:s15+$0x300];
	v5 =	vadd.f32 v18, v5;
	v16 =	vadd.f32 v17, v16  }
0x277: {  	v18 =	vld [tilespmem:s20+$0x0];
	v17 =	vadd.f32 v27, v60  }
0x278: {  	s9 =	sand.u32 $0x380, s9;
	s28 =	sor.u32 s5, s24;
	v11 =	vld [tilespmem:s15+$0x380];
	v5 =	vadd.f32 v16, v5  }
0x279: {  	v14 =	vadd.f32 v29, v14;
	s4 =	sor.u32 s4, s9;
	v16 =	vadd.f32 v13, v17;
	v13 =	vld [tilespmem:s28+$0x0]  }
0x27a: {  	s29 =	sor.u32 s5, s11;
	[tilespmem:s4+$0x12880] =	vst.add.f32.msk $0xffff, v5  }
0x27b: {  	s30 =	sor.u32 s5, s10;
	s10 =	sor.u32 s5, s26;
	s9 =	simm.s32 $0x60;
	v5 =	vadd.f32 v16, v14;
	v14 =	vld [tilespmem:s29+$0x0]  }
0x27c: {  	s20 =	sor.u32 s5, s12;
	s5 =	simm.s32 $0x300;
	s4 =	simm.s32 $0x4;
	v16 =	vadd.f32 v15, v61;
	v17 =	vadd.f32 v18, v62;
	v15 =	vld [tilespmem:s30+$0x0]  }
.LBB2_11:
0x27d: {  	s19 =	sand.u32 $0x60, s9;
	s24 =	sand.u32 $0x1C00, s5;
	v8 =	vadd.f32 v12, v8;
	v12 =	vld [tilespmem:s10+$0x0]  }
0x27e: {  	s14 =	sadd.s32 $0x20, s14;
	s10 =	sadd.s32 $0xA880, s24;
	s11 =	sor.u32 $0x10, s19;
	v9 =	vadd.f32 v13, v9;
	v13 =	vld [tilespmem:s20+$0x0];
	v16 =	vadd.f32 v17, v16  }
0x27f: {  	s12 =	sor.u32 s19, s10;
	s10 =	sor.u32 s11, s10;
	[tilespmem:s14+$0x0] =	vst.add.f32.msk $0xffff, v5  }
0x280: {  	v17 =	vld [tilespmem:s10+$0x0];
	v5 =	vadd.f32 v14, v6;
	v6 =	vadd.f32 v9, v8  }
0x281: {  	v8 =	vld [tilespmem:s10+$0x80];
	v7 =	vadd.f32 v15, v7  }
0x282: {  	v9 =	vld [tilespmem:s10+$0x100];
	v10 =	vadd.f32 v12, v10;
	v6 =	vadd.f32 v6, v16  }
0x283: {  	v12 =	vld [tilespmem:s10+$0x180];
	v11 =	vadd.f32 v13, v11;
	v5 =	vadd.f32 v7, v5  }
0x284: {  	v7 =	vld [tilespmem:s10+$0x200]  }
0x285: {  	v13 =	vld [tilespmem:s10+$0x280];
	v10 =	vadd.f32 v11, v10  }
0x286: {  	s20 =	sadd.s32 $0xC880, s24;
	v11 =	vld [tilespmem:s10+$0x300]  }
0x287: {  	s25 =	sadd.s32 $0xC900, s24;
	s15 =	sor.u32 s19, s20;
	v14 =	vld [tilespmem:s10+$0x380];
	s10 =	sor.u32 s11, s20;
	v5 =	vadd.f32 v10, v5  }
0x288: {  	s23 =	sor.u32 s19, s25;
	s20 =	sadd.s32 $0xC980, s24;
	v10 =	vld [tilespmem:s10+$0x0];
	s10 =	sor.u32 s11, s25  }
0x289: {  	s26 =	sadd.s32 $0xCA00, s24;
	s25 =	sor.u32 s19, s20;
	v15 =	vld [tilespmem:s10+$0x0];
	s10 =	sor.u32 s11, s20;
	v5 =	vadd.f32 v5, v6  }
0x28a: {  	s28 =	sor.u32 s19, s26;
	s20 =	sadd.s32 $0xCA80, s24;
	v6 =	vld [tilespmem:s10+$0x0];
	s10 =	sor.u32 s11, s26  }
0x28b: {  	s29 =	sadd.s32 $0xCB00, s24;
	s26 =	sor.u32 s19, s20;
	v16 =	vld [tilespmem:s10+$0x0];
	s10 =	sor.u32 s11, s20  }
0x28c: {  	s4 =	sadd.s32 $0x2, s4;
	s20 =	sadd.s32 $0xCB80, s24;
	v18 =	vld [tilespmem:s10+$0x0];
	s10 =	sor.u32 s11, s29  }
0x28d: {  	p2 =	slt.u32 s4, $0x3E;
	s24 =	sadd.s32 $0xCC00, s24;
	s30 =	sor.u32 s11, s20;
	v19 =	vld [tilespmem:s10+$0x0]  }
0x28e: {  	s29 =	sor.u32 s19, s29;
	s10 =	sor.u32 s19, s20;
	v20 =	vld [tilespmem:s30+$0x0];
	s30 =	sor.u32 s11, s24  }
0x28f: {  	s20 =	sor.u32 s19, s24;
	v21 =	vld [tilespmem:s30+$0x0]  }
0x290: {  	v22 =	vld [tilespmem:s12+$0x0]  }
0x291: {  	v10 =	vadd.f32 v10, v17;
	v15 =	vadd.f32 v15, v8;
	v23 =	vld [tilespmem:s12+$0x80]  }
0x292: {  	v17 =	vadd.f32 v6, v9;
	v12 =	vadd.f32 v16, v12;
	v8 =	vld [tilespmem:s12+$0x100]  }
0x293: {  	v16 =	vadd.f32 v18, v7;
	v13 =	vadd.f32 v19, v13;
	v9 =	vld [tilespmem:s12+$0x180]  }
0x294: {  	v11 =	vadd.f32 v20, v11;
	v6 =	vld [tilespmem:s12+$0x200];
	v14 =	vadd.f32 v21, v14  }
0x295: {  	v15 =	vadd.f32 v15, v10;
	v12 =	vadd.f32 v12, v17;
	v7 =	vld [tilespmem:s12+$0x280]  }
0x296: {  	v13 =	vadd.f32 v13, v16;
	v10 =	vld [tilespmem:s12+$0x300];
	v14 =	vadd.f32 v14, v11  }
0x297: {  	v11 =	vld [tilespmem:s12+$0x380]  }
0x298: {  	v15 =	vadd.f32 v12, v15;
	v16 =	vld [tilespmem:s15+$0x0];
	v13 =	vadd.f32 v14, v13  }
0x299: {  	v17 =	vld [tilespmem:s23+$0x0]  }
.Ltmp6:
0x29a: {  	s12 =	sand.u32 $0x380, s9;
	v12 =	vld [tilespmem:s25+$0x0];
	v14 =	vadd.f32 v13, v15;
	(pc) =	sbr.rel @p2 .LBB2_11-.Ltmp6, $4  }
0x29b: {  	s11 =	sor.u32 s11, s12;
	v13 =	vld [tilespmem:s28+$0x0]  }
0x29c: {  	[tilespmem:s11+$0x12880] =	vst.add.f32.msk $0xffff, v14  }
0x29d: {  	v16 =	vadd.f32 v16, v22;
	v14 =	vld [tilespmem:s26+$0x0]  }
0x29e: {  	s5 =	sadd.s32 $0x100, s5;
	s9 =	sadd.s32 $0x20, s9;
	v17 =	vadd.f32 v17, v23;
	v15 =	vld [tilespmem:s29+$0x0]  }
0x29f: {  	v18 =	vld [tilespmem:s10+$0x0]  }
0x2a0: {  	v19 =	vld [tilespmem:s20+$0x0];
	_ =	sdelay $0x2  }
0x2a1: {  	v8 =	vadd.f32 v12, v8;
	v9 =	vadd.f32 v13, v9  }
0x2a2: {  	v6 =	vadd.f32 v14, v6;
	v7 =	vadd.f32 v15, v7  }
0x2a3: {  	v10 =	vadd.f32 v18, v10;
	v11 =	vadd.f32 v19, v11  }
0x2a4: {  	v12 =	vadd.f32 v17, v16;
	v8 =	vadd.f32 v9, v8  }
0x2a5: {  	v6 =	vadd.f32 v7, v6;
	v7 =	vadd.f32 v11, v10;
	_ =	sdelay $0x1  }
0x2a6: {  	v8 =	vadd.f32 v8, v12;
	v6 =	vadd.f32 v7, v6;
	_ =	sdelay $0x1  }
0x2a7: {  	s4 =	sadd.s32 $0x20, s14;
	v6 =	vadd.f32 v6, v8  }
0x2a8: {  	[tilespmem:s4+$0x0] =	vst.add.f32.msk $0xffff, v5;
	s4 =	sadd.s32 $0x20, s4  }
0x2a9: {  	[tilespmem:s4+$0x0] =	vst.add.f32.msk $0xffff, v6  }
0x2aa: {  	v5 =	vld @!p1 [tilespmem:s13+$0x60];
	_ =	sdelay $0x4  }
0x2ab: {  	v6 =	vshll.u32 @!p1 v5, $0x3  }
0x2ac: {  	v7 =	vlaneseq.u32 @!p1;
	v5 =	vand.u32 @!p1 $0x7, v5;
	v6 =	vand.u32 @!p1 $0xFFFFFFC0, v6  }
0x2ad: {  	v8 =	vshrl.u32 @!p1 v7, $0x3;
	v5 =	vor.u32 @!p1 v5, v6;
	v6 =	vand.u32 @!p1 $0x7, v7  }
0x2ae: {  	v8 =	vmul.u32 @!p1 $0x8, v8;
	v6 =	vperm.xlane @!p1 v5, v6;
	_ =	sdelay $0x1  }
0x2af: {  	v6 =	vadd.s32 @!p1 v8, v6;
	_ =	sdelay $0x3  }
0x2b0: {  	s5 =	simm.s32 @!p1 $0xA880;
	s4 =	simm.s32 @!p1 $0x0  }
0x2b1: {  	v7 =	vor.u32 @!p1 $0x8, v7;
	[tilespmem:s5], [sflag:$0x3] =	stream.indirect_vreg.gather @!p1 [hbm4b:s2+s4], $0x80, v6, vm2, $0xb8;
	[tilespmem:$0x12C80] =	vst v63  }
0x2b2: {  	v5 =	vperm.xlane @!p1 v5, v7;
	s5 =	simm.s32 @!p1 $0xB080  }
0x2b3: {  	[tilespmem:s5], [sflag:$0x3] =	stream.indirect_vreg.gather @!p1 [hbm4b:s6+s4], $0x80, v6, vm2, $0xb8;
	[tilespmem:$0x12C80] =	vst v63  }
0x2b4: {  	v5 =	vadd.s32 @!p1 v8, v5;
	s5 =	simm.s32 @!p1 $0xB880  }
0x2b5: {  	[tilespmem:s5], [sflag:$0x3] =	stream.indirect_vreg.gather @!p1 [hbm4b:s7+s4], $0x80, v6, vm2, $0xb8;
	[tilespmem:$0x12C80] =	vst v63  }
0x2b6: {  	s5 =	simm.s32 @!p1 $0xC080  }
0x2b7: {  	[tilespmem:s5], [sflag:$0x3] =	stream.indirect_vreg.gather @!p1 [hbm4b:s8+s4], $0x80, v6, vm2, $0xb8;
	[tilespmem:$0x12C80] =	vst v63  }
0x2b8: {  	s5 =	simm.s32 @!p1 $0xC880  }
0x2b9: {  	[tilespmem:s5], [sflag:$0x3] =	stream.indirect_vreg.gather @!p1 [hbm4b:s2+s4], $0x80, v5, vm2, $0xb8;
	[tilespmem:$0x12C80] =	vst v63  }
0x2ba: {  	s5 =	simm.s32 @!p1 $0xD080  }
0x2bb: {  	[tilespmem:s5], [sflag:$0x3] =	stream.indirect_vreg.gather @!p1 [hbm4b:s6+s4], $0x80, v5, vm2, $0xb8;
	[tilespmem:$0x12C80] =	vst v63  }
0x2bc: {  	s5 =	simm.s32 @!p1 $0xD880  }
0x2bd: {  	[tilespmem:s5], [sflag:$0x3] =	stream.indirect_vreg.gather @!p1 [hbm4b:s7+s4], $0x80, v5, vm2, $0xb8;
	[tilespmem:$0x12C80] =	vst v63  }
0x2be: {  	s5 =	simm.s32 @!p1 $0xE080  }
0x2bf: {  	[tilespmem:s5], [sflag:$0x3] =	stream.indirect_vreg.gather @!p1 [hbm4b:s8+s4], $0x80, v5, vm2, $0xb8;
	[tilespmem:$0x12C80] =	vst v63  }
0x2c0: {  	s4 =	simm.s32 $0x0  }
0x2c1: {  	_ =	swait.ge [sflag:s17], $0x4000;
	s9 =	sand.u32 $0x60, s4;
	s29 =	sand.u32 $0x1C00, s4  }
0x2c2: {  	[sflag:s17] =	ssyncset.done $0x0;
	s11 =	sadd.s32 $0xE880, s29;
	s5 =	sor.u32 $0x10, s9  }
0x2c3: {  	[sflag:s17] =	ssyncadd.s32 $0xFFFFC000;
	s12 =	sor.u32 s5, s11  }
0x2c4: {  	v5 =	vld [tilespmem:s12+$0x0]  }
0x2c5: {  	v6 =	vld [tilespmem:s12+$0x80]  }
0x2c6: {  	v7 =	vld [tilespmem:s12+$0x100]  }
0x2c7: {  	v8 =	vld [tilespmem:s12+$0x180]  }
0x2c8: {  	v9 =	vld [tilespmem:s12+$0x200]  }
0x2c9: {  	v10 =	vld [tilespmem:s12+$0x280]  }
0x2ca: {  	s30 =	sadd.s32 $0x10880, s29;
	v11 =	vld [tilespmem:s12+$0x300]  }
0x2cb: {  	s14 =	sadd.s32 $0x10900, s29;
	s19 =	sor.u32 s5, s30;
	v12 =	vld [tilespmem:s12+$0x380]  }
0x2cc: {  	s15 =	sadd.s32 $0x10980, s29;
	s20 =	sor.u32 s5, s14;
	v13 =	vld [tilespmem:s19+$0x0]  }
0x2cd: {  	s23 =	sor.u32 s5, s15;
	v14 =	vld [tilespmem:s20+$0x0]  }
0x2ce: {  	s11 =	sor.u32 s9, s11;
	v15 =	vld [tilespmem:s23+$0x0]  }
0x2cf: {  	s19 =	sadd.s32 $0x10A00, s29;
	v21 =	vld [tilespmem:s11+$0x0]  }
0x2d0: {  	s20 =	sadd.s32 $0x10A80, s29;
	v22 =	vld [tilespmem:s11+$0x80];
	s24 =	sor.u32 s5, s19  }
0x2d1: {  	s23 =	sadd.s32 $0x10B00, s29;
	s25 =	sor.u32 s5, s20;
	v16 =	vld [tilespmem:s24+$0x0]  }
0x2d2: {  	s10 =	sadd.s32 $0x10C00, s29;
	s26 =	sor.u32 s5, s23;
	v17 =	vld [tilespmem:s25+$0x0]  }
0x2d3: {  	s24 =	sadd.s32 $0x10B80, s29;
	v18 =	vld [tilespmem:s26+$0x0];
	s29 =	sor.u32 s5, s10  }
0x2d4: {  	s28 =	sor.u32 s5, s24;
	v20 =	vld [tilespmem:s29+$0x0]  }
0x2d5: {  	v19 =	vld [tilespmem:s28+$0x0]  }
0x2d6: {  	v5 =	vadd.f32 v13, v5;
	v13 =	vld [tilespmem:s11+$0x100]  }
0x2d7: {  	v6 =	vadd.f32 v14, v6;
	v14 =	vld [tilespmem:s11+$0x180]  }
0x2d8: {  	v7 =	vadd.f32 v15, v7;
	v15 =	vld [tilespmem:s11+$0x200];
	v8 =	vadd.f32 v16, v8  }
0x2d9: {  	s25 =	sor.u32 s9, s24;
	v9 =	vadd.f32 v17, v9;
	v10 =	vadd.f32 v18, v10;
	v16 =	vld [tilespmem:s11+$0x280]  }
0x2da: {  	s10 =	sor.u32 s9, s10;
	v17 =	vld [tilespmem:s25+$0x0];
	v12 =	vadd.f32 v20, v12;
	v11 =	vadd.f32 v19, v11  }
0x2db: {  	v5 =	vadd.f32 v6, v5;
	v18 =	vld [tilespmem:s10+$0x0];
	v6 =	vadd.f32 v8, v7  }
0x2dc: {  	v7 =	vld [tilespmem:s11+$0x300];
	v8 =	vadd.f32 v10, v9;
	v9 =	vadd.f32 v12, v11  }
0x2dd: {  	s30 =	sor.u32 s9, s30;
	s13 =	sor.u32 s9, s14;
	s14 =	sor.u32 s9, s15;
	v10 =	vld [tilespmem:s11+$0x380]  }
0x2de: {  	s15 =	sor.u32 s9, s19;
	s19 =	sor.u32 s9, s20;
	s20 =	sor.u32 s9, s23;
	v11 =	vld [tilespmem:s30+$0x0];
	v5 =	vadd.f32 v6, v5;
	v6 =	vadd.f32 v9, v8  }
0x2df: {  	v12 =	vld [tilespmem:s20+$0x0]  }
0x2e0: {  	s4 =	sand.u32 $0x380, s4;
	v8 =	vld [tilespmem:s13+$0x0];
	v5 =	vadd.f32 v6, v5  }
0x2e1: {  	s4 =	sor.u32 s5, s4;
	s23 =	simm.s32 $0x100;
	s5 =	simm.s32 $0x20;
	v9 =	vld [tilespmem:s14+$0x0]  }
0x2e2: {  	s11 =	sand.u32 $0x1C00, s23;
	[tilespmem:s4+$0x12880] =	vst.add.f32.msk $0xffff, v5;
	s4 =	sand.u32 $0x60, s5  }
0x2e3: {  	s12 =	sadd.s32 $0xE880, s11;
	v6 =	vld [tilespmem:s15+$0x0];
	s9 =	sor.u32 $0x10, s4  }
0x2e4: {  	v5 =	vld [tilespmem:s19+$0x0];
	s26 =	sor.u32 s9, s12  }
0x2e5: {  	v19 =	vld [tilespmem:s26+$0x0]  }
0x2e6: {  	v42 =	vld [tilespmem:s26+$0x80]  }
0x2e7: {  	v23 =	vld [tilespmem:s26+$0x100]  }
0x2e8: {  	v24 =	vld [tilespmem:s26+$0x180]  }
0x2e9: {  	v25 =	vld [tilespmem:s26+$0x200]  }
0x2ea: {  	v26 =	vld [tilespmem:s26+$0x280]  }
0x2eb: {  	s13 =	sadd.s32 $0x10880, s11;
	v27 =	vld [tilespmem:s26+$0x300]  }
0x2ec: {  	s14 =	sadd.s32 $0x10900, s11;
	s28 =	sor.u32 s9, s13;
	v28 =	vld [tilespmem:s26+$0x380]  }
0x2ed: {  	s15 =	sadd.s32 $0x10980, s11;
	s29 =	sor.u32 s9, s14;
	v29 =	vld [tilespmem:s28+$0x0]  }
0x2ee: {  	s19 =	sadd.s32 $0x10A00, s11;
	s30 =	sor.u32 s9, s15;
	v30 =	vld [tilespmem:s29+$0x0]  }
0x2ef: {  	s24 =	sadd.s32 $0x10B00, s11;
	s23 =	sor.u32 s9, s19;
	v31 =	vld [tilespmem:s30+$0x0]  }
0x2f0: {  	v11 =	vadd.f32 v11, v21;
	v8 =	vadd.f32 v8, v22;
	s25 =	sor.u32 s9, s24;
	v32 =	vld [tilespmem:s23+$0x0]  }
0x2f1: {  	s12 =	sor.u32 s4, s12;
	v34 =	vld [tilespmem:s25+$0x0]  }
0x2f2: {  	v8 =	vadd.f32 v8, v11;
	v11 =	vld [tilespmem:s12+$0x0]  }
0x2f3: {  	s20 =	sadd.s32 $0x10A80, s11;
	v6 =	vadd.f32 v6, v14;
	v14 =	vld [tilespmem:s12+$0x80]  }
0x2f4: {  	s10 =	sadd.s32 $0x10C00, s11;
	s26 =	sor.u32 s9, s20;
	v44 =	vld [tilespmem:s12+$0x100]  }
0x2f5: {  	v7 =	vadd.f32 v17, v7;
	s28 =	sadd.s32 $0x10B80, s11;
	s30 =	sor.u32 s9, s10;
	v33 =	vld [tilespmem:s26+$0x0]  }
0x2f6: {  	v10 =	vadd.f32 v18, v10;
	v9 =	vadd.f32 v9, v13;
	s29 =	sor.u32 s9, s28;
	v13 =	vld [tilespmem:s30+$0x0]  }
0x2f7: {  	v12 =	vadd.f32 v12, v16;
	v43 =	vld [tilespmem:s29+$0x0]  }
0x2f8: {  	v7 =	vadd.f32 v10, v7;
	v45 =	vld [tilespmem:s12+$0x180];
	v5 =	vadd.f32 v5, v15  }
0x2f9: {  	v46 =	vld [tilespmem:s12+$0x200];
	v19 =	vadd.f32 v29, v19;
	v20 =	vadd.f32 v30, v42  }
0x2fa: {  	v47 =	vld [tilespmem:s12+$0x280];
	v23 =	vadd.f32 v31, v23;
	v24 =	vadd.f32 v32, v24  }
0x2fb: {  	s13 =	sor.u32 s4, s13;
	v49 =	vld [tilespmem:s12+$0x300];
	v26 =	vadd.f32 v34, v26;
	v25 =	vadd.f32 v33, v25  }
0x2fc: {  	s14 =	sor.u32 s4, s14;
	v16 =	vld [tilespmem:s13+$0x0];
	v13 =	vadd.f32 v13, v28;
	v21 =	vadd.f32 v43, v27  }
0x2fd: {  	s19 =	sor.u32 s4, s19;
	v17 =	vld [tilespmem:s14+$0x0];
	v19 =	vadd.f32 v20, v19;
	v48 =	vadd.f32 v24, v23  }
0x2fe: {  	v10 =	vld [tilespmem:s19+$0x0];
	v50 =	vadd.f32 v26, v25;
	v13 =	vadd.f32 v13, v21  }
0x2ff: {  	s15 =	sor.u32 s4, s15;
	v15 =	vld [tilespmem:s12+$0x380];
	v6 =	vadd.f32 v6, v9;
	v5 =	vadd.f32 v12, v5  }
0x300: {  	s25 =	sor.u32 s4, s24;
	v9 =	vld [tilespmem:s15+$0x0];
	v19 =	vadd.f32 v48, v19;
	v13 =	vadd.f32 v13, v50  }
0x301: {  	s26 =	sor.u32 s4, s28;
	v6 =	vadd.f32 v6, v8;
	v8 =	vld [tilespmem:s25+$0x0];
	v5 =	vadd.f32 v7, v5  }
0x302: {  	s5 =	sand.u32 $0x380, s5;
	s20 =	sor.u32 s4, s20;
	v12 =	vld [tilespmem:s26+$0x0];
	v13 =	vadd.f32 v13, v19  }
0x303: {  	s5 =	sor.u32 s9, s5;
	s28 =	simm.s32 $0x200;
	s9 =	simm.s32 $0x40;
	v7 =	vld [tilespmem:s20+$0x0];
	v5 =	vadd.f32 v5, v6  }
0x304: {  	s13 =	simm.s32 $0x12880;
	s12 =	sand.u32 $0x1C00, s28;
	[tilespmem:s5+$0x12880] =	vst.add.f32.msk $0xffff, v13;
	s5 =	sand.u32 $0x60, s9  }
0x305: {  	s10 =	sor.u32 s4, s10;
	s14 =	sadd.s32 $0xE880, s12;
	[tilespmem:s13+$0x0] =	vst.add.f32.msk $0xffff, v5;
	s4 =	sor.u32 $0x10, s5  }
0x306: {  	v13 =	vld [tilespmem:s10+$0x0];
	s29 =	sor.u32 s4, s14  }
0x307: {  	v5 =	vld [tilespmem:s29+$0x0]  }
0x308: {  	v6 =	vld [tilespmem:s29+$0x80]  }
0x309: {  	v18 =	vld [tilespmem:s29+$0x100]  }
0x30a: {  	v19 =	vld [tilespmem:s29+$0x180]  }
0x30b: {  	v51 =	vld [tilespmem:s29+$0x200]  }
0x30c: {  	v52 =	vld [tilespmem:s29+$0x280]  }
0x30d: {  	s15 =	sadd.s32 $0x10880, s12;
	v53 =	vld [tilespmem:s29+$0x300]  }
0x30e: {  	s19 =	sadd.s32 $0x10900, s12;
	s30 =	sor.u32 s4, s15;
	v54 =	vld [tilespmem:s29+$0x380]  }
0x30f: {  	s20 =	sadd.s32 $0x10980, s12;
	s11 =	sor.u32 s4, s19;
	v55 =	vld [tilespmem:s30+$0x0]  }
0x310: {  	s23 =	sadd.s32 $0x10A00, s12;
	s24 =	sor.u32 s4, s20;
	v56 =	vld [tilespmem:s11+$0x0]  }
0x311: {  	s10 =	sadd.s32 $0x10B00, s12;
	s25 =	sor.u32 s4, s23;
	v57 =	vld [tilespmem:s24+$0x0]  }
0x312: {  	v11 =	vadd.f32 v16, v11;
	v14 =	vadd.f32 v17, v14;
	s28 =	sor.u32 s4, s10;
	s11 =	sadd.s32 $0x10A80, s12;
	v58 =	vld [tilespmem:s25+$0x0]  }
0x313: {  	v10 =	vadd.f32 v10, v45;
	s25 =	sadd.s32 $0x10B80, s12;
	v16 =	vld [tilespmem:s28+$0x0];
	s26 =	sor.u32 s4, s11  }
0x314: {  	v9 =	vadd.f32 v9, v44;
	v14 =	vadd.f32 v14, v11;
	s12 =	sadd.s32 $0x10C00, s12;
	s29 =	sor.u32 s4, s25;
	v59 =	vld [tilespmem:s26+$0x0]  }
0x315: {  	v12 =	vadd.f32 v12, v49;
	s30 =	sor.u32 s4, s12;
	v17 =	vld [tilespmem:s29+$0x0];
	v13 =	vadd.f32 v13, v15  }
0x316: {  	v29 =	vadd.f32 v10, v9;
	v60 =	vadd.f32 v7, v46;
	s14 =	sor.u32 s5, s14;
	v7 =	vld [tilespmem:s30+$0x0]  }
0x317: {  	v27 =	vadd.f32 v8, v47;
	v61 =	vld [tilespmem:s14+$0x0];
	v13 =	vadd.f32 v13, v12  }
0x318: {  	v62 =	vld [tilespmem:s14+$0x80];
	v5 =	vadd.f32 v55, v5;
	v10 =	vadd.f32 v56, v6  }
0x319: {  	v8 =	vld [tilespmem:s14+$0x100];
	v11 =	vadd.f32 v57, v18;
	v18 =	vadd.f32 v58, v19  }
0x31a: {  	s15 =	sor.u32 s5, s15;
	v9 =	vld [tilespmem:s14+$0x180];
	v16 =	vadd.f32 v16, v52;
	v19 =	vadd.f32 v59, v51  }
0x31b: {  	v15 =	vld [tilespmem:s15+$0x0];
	s26 =	sor.u32 s5, s20;
	v17 =	vadd.f32 v17, v53;
	v63 =	vadd.f32 v7, v54  }
0x31c: {  	v12 =	vld [tilespmem:s26+$0x0];
	v5 =	vadd.f32 v10, v5;
	v18 =	vadd.f32 v18, v11  }
0x31d: {  	v6 =	vld [tilespmem:s14+$0x200];
	v16 =	vadd.f32 v16, v19;
	v17 =	vadd.f32 v63, v17  }
0x31e: {  	v7 =	vld [tilespmem:s14+$0x280]  }
0x31f: {  	s24 =	sor.u32 s5, s19;
	v10 =	vld [tilespmem:s14+$0x300];
	v5 =	vadd.f32 v18, v5;
	v16 =	vadd.f32 v17, v16  }
0x320: {  	v18 =	vld [tilespmem:s24+$0x0];
	v17 =	vadd.f32 v27, v60  }
0x321: {  	s9 =	sand.u32 $0x380, s9;
	s28 =	sor.u32 s5, s23;
	v11 =	vld [tilespmem:s14+$0x380];
	v5 =	vadd.f32 v16, v5  }
0x322: {  	v14 =	vadd.f32 v29, v14;
	s4 =	sor.u32 s4, s9;
	v16 =	vadd.f32 v13, v17;
	v13 =	vld [tilespmem:s28+$0x0]  }
0x323: {  	s29 =	sor.u32 s5, s11;
	[tilespmem:s4+$0x12880] =	vst.add.f32.msk $0xffff, v5  }
0x324: {  	s19 =	sor.u32 s5, s12;
	s9 =	simm.s32 $0x60;
	s30 =	sor.u32 s5, s10;
	v5 =	vadd.f32 v16, v14;
	v14 =	vld [tilespmem:s29+$0x0]  }
0x325: {  	s10 =	sor.u32 s5, s25;
	s5 =	simm.s32 $0x300;
	v17 =	vadd.f32 v18, v62;
	s4 =	simm.s32 $0x4;
	v16 =	vadd.f32 v15, v61;
	v15 =	vld [tilespmem:s30+$0x0]  }
.LBB2_13:
0x326: {  	s14 =	sand.u32 $0x60, s9;
	s23 =	sand.u32 $0x1C00, s5;
	v8 =	vadd.f32 v12, v8;
	v12 =	vld [tilespmem:s10+$0x0]  }
0x327: {  	s13 =	sadd.s32 $0x20, s13;
	s10 =	sadd.s32 $0xE880, s23;
	s11 =	sor.u32 $0x10, s14;
	v9 =	vadd.f32 v13, v9;
	v13 =	vld [tilespmem:s19+$0x0];
	v16 =	vadd.f32 v17, v16  }
0x328: {  	s12 =	sor.u32 s14, s10;
	s10 =	sor.u32 s11, s10;
	[tilespmem:s13+$0x0] =	vst.add.f32.msk $0xffff, v5  }
0x329: {  	v17 =	vld [tilespmem:s10+$0x0];
	v5 =	vadd.f32 v14, v6;
	v6 =	vadd.f32 v9, v8  }
0x32a: {  	v8 =	vld [tilespmem:s10+$0x80];
	v7 =	vadd.f32 v15, v7  }
0x32b: {  	v9 =	vld [tilespmem:s10+$0x100];
	v10 =	vadd.f32 v12, v10;
	v6 =	vadd.f32 v6, v16  }
0x32c: {  	v12 =	vld [tilespmem:s10+$0x180];
	v11 =	vadd.f32 v13, v11;
	v5 =	vadd.f32 v7, v5  }
0x32d: {  	v7 =	vld [tilespmem:s10+$0x200]  }
0x32e: {  	v13 =	vld [tilespmem:s10+$0x280];
	v10 =	vadd.f32 v11, v10  }
0x32f: {  	s19 =	sadd.s32 $0x10880, s23;
	v11 =	vld [tilespmem:s10+$0x300]  }
0x330: {  	s24 =	sadd.s32 $0x10900, s23;
	s15 =	sor.u32 s14, s19;
	v14 =	vld [tilespmem:s10+$0x380];
	s10 =	sor.u32 s11, s19;
	v5 =	vadd.f32 v10, v5  }
0x331: {  	s20 =	sor.u32 s14, s24;
	s19 =	sadd.s32 $0x10980, s23;
	v10 =	vld [tilespmem:s10+$0x0];
	s10 =	sor.u32 s11, s24  }
0x332: {  	s25 =	sadd.s32 $0x10A00, s23;
	s24 =	sor.u32 s14, s19;
	v15 =	vld [tilespmem:s10+$0x0];
	s10 =	sor.u32 s11, s19;
	v5 =	vadd.f32 v5, v6  }
0x333: {  	s26 =	sor.u32 s14, s25;
	s19 =	sadd.s32 $0x10A80, s23;
	v6 =	vld [tilespmem:s10+$0x0];
	s10 =	sor.u32 s11, s25  }
0x334: {  	s28 =	sadd.s32 $0x10B00, s23;
	s25 =	sor.u32 s14, s19;
	v16 =	vld [tilespmem:s10+$0x0];
	s10 =	sor.u32 s11, s19  }
0x335: {  	s4 =	sadd.s32 $0x2, s4;
	s19 =	sadd.s32 $0x10B80, s23;
	v18 =	vld [tilespmem:s10+$0x0];
	s10 =	sor.u32 s11, s28  }
0x336: {  	p2 =	slt.u32 s4, $0x3E;
	s23 =	sadd.s32 $0x10C00, s23;
	s29 =	sor.u32 s11, s19;
	v19 =	vld [tilespmem:s10+$0x0]  }
0x337: {  	s28 =	sor.u32 s14, s28;
	s10 =	sor.u32 s14, s19;
	v20 =	vld [tilespmem:s29+$0x0];
	s29 =	sor.u32 s11, s23  }
0x338: {  	s19 =	sor.u32 s14, s23;
	v21 =	vld [tilespmem:s29+$0x0]  }
0x339: {  	v22 =	vld [tilespmem:s12+$0x0]  }
0x33a: {  	v10 =	vadd.f32 v10, v17;
	v15 =	vadd.f32 v15, v8;
	v23 =	vld [tilespmem:s12+$0x80]  }
0x33b: {  	v17 =	vadd.f32 v6, v9;
	v12 =	vadd.f32 v16, v12;
	v8 =	vld [tilespmem:s12+$0x100]  }
0x33c: {  	v16 =	vadd.f32 v18, v7;
	v13 =	vadd.f32 v19, v13;
	v9 =	vld [tilespmem:s12+$0x180]  }
0x33d: {  	v11 =	vadd.f32 v20, v11;
	v6 =	vld [tilespmem:s12+$0x200];
	v14 =	vadd.f32 v21, v14  }
0x33e: {  	v15 =	vadd.f32 v15, v10;
	v12 =	vadd.f32 v12, v17;
	v7 =	vld [tilespmem:s12+$0x280]  }
0x33f: {  	v13 =	vadd.f32 v13, v16;
	v10 =	vld [tilespmem:s12+$0x300];
	v14 =	vadd.f32 v14, v11  }
0x340: {  	v11 =	vld [tilespmem:s12+$0x380]  }
0x341: {  	v15 =	vadd.f32 v12, v15;
	v16 =	vld [tilespmem:s15+$0x0];
	v13 =	vadd.f32 v14, v13  }
0x342: {  	v17 =	vld [tilespmem:s20+$0x0]  }
.Ltmp7:
0x343: {  	s12 =	sand.u32 $0x380, s9;
	v12 =	vld [tilespmem:s24+$0x0];
	v14 =	vadd.f32 v13, v15;
	(pc) =	sbr.rel @p2 .LBB2_13-.Ltmp7, $4  }
0x344: {  	s11 =	sor.u32 s11, s12;
	v13 =	vld [tilespmem:s26+$0x0]  }
0x345: {  	[tilespmem:s11+$0x12880] =	vst.add.f32.msk $0xffff, v14  }
0x346: {  	v16 =	vadd.f32 v16, v22;
	v14 =	vld [tilespmem:s25+$0x0]  }
0x347: {  	s5 =	sadd.s32 $0x100, s5;
	s9 =	sadd.s32 $0x20, s9;
	v17 =	vadd.f32 v17, v23;
	v15 =	vld [tilespmem:s28+$0x0]  }
0x348: {  	v18 =	vld [tilespmem:s10+$0x0]  }
0x349: {  	v19 =	vld [tilespmem:s19+$0x0];
	_ =	sdelay $0x2  }
0x34a: {  	v8 =	vadd.f32 v12, v8;
	v9 =	vadd.f32 v13, v9  }
0x34b: {  	v6 =	vadd.f32 v14, v6;
	v7 =	vadd.f32 v15, v7  }
0x34c: {  	v10 =	vadd.f32 v18, v10;
	v11 =	vadd.f32 v19, v11  }
0x34d: {  	v63 =	vadd.f32 v17, v16;
	v8 =	vadd.f32 v9, v8  }
0x34e: {  	v6 =	vadd.f32 v7, v6;
	v7 =	vadd.f32 v11, v10;
	_ =	sdelay $0x1  }
.Ltmp8:
0x34f: {  	v8 =	vadd.f32 v8, v63;
	v6 =	vadd.f32 v7, v6;
	(pc) =	sbr.rel @p1 .LBB2_16-.Ltmp8, $4  }
0x350: {  	_ = 	snop  }
0x351: {  	s4 =	sadd.s32 $0x20, s13;
	v6 =	vadd.f32 v6, v8  }
0x352: {  	[tilespmem:s4+$0x0] =	vst.add.f32.msk $0xffff, v5;
	s4 =	sadd.s32 $0x20, s4  }
0x353: {  	[tilespmem:s4+$0x0] =	vst.add.f32.msk $0xffff, v6  }
0x354: {  	s4 =	sshrl.u32 s18, $0x2  }
0x355: {  	v5 =	vld [tilespmem:s4+$0x70];
	_ =	sdelay $0x4  }
0x356: {  	v6 =	vshll.u32 v5, $0x3  }
0x357: {  	v5 =	vand.u32 $0x7, v5;
	v6 =	vand.u32 $0xFFFFFFC0, v6  }
0x358: {  	v5 =	vor.u32 v5, v6  }
0x359: {  	v6 =	vperm.xlane v5, v2;
	_ =	sdelay $0x1  }
0x35a: {  	v6 =	vadd.s32 v3, v6;
	_ =	sdelay $0x3  }
0x35b: {  	s23 =	simm.s32 $0xE880  }
0x35c: {  	[tilespmem:s23], [sflag:$0x4] =	stream.indirect_vreg.gather [hbm4b:s2+s3], $0x80, v6, vm1, $0xb8;
	[tilespmem:$0x12C80] =	vst v63  }
0x35d: {  	s24 =	simm.s32 $0xF080;
	v5 =	vperm.xlane v5, v4  }
0x35e: {  	[tilespmem:s24], [sflag:$0x4] =	stream.indirect_vreg.gather [hbm4b:s6+s3], $0x80, v6, vm1, $0xb8;
	[tilespmem:$0x12C80] =	vst v63  }
0x35f: {  	s25 =	simm.s32 $0xF880;
	v5 =	vadd.s32 v3, v5  }
0x360: {  	[tilespmem:s25], [sflag:$0x4] =	stream.indirect_vreg.gather [hbm4b:s7+s3], $0x80, v6, vm1, $0xb8;
	[tilespmem:$0x12C80] =	vst v63  }
0x361: {  	s26 =	simm.s32 $0x10080  }
0x362: {  	[tilespmem:s26], [sflag:$0x4] =	stream.indirect_vreg.gather [hbm4b:s8+s3], $0x80, v6, vm1, $0xb8;
	[tilespmem:$0x12C80] =	vst v63  }
0x363: {  	s28 =	simm.s32 $0x10880  }
0x364: {  	[tilespmem:s28], [sflag:$0x4] =	stream.indirect_vreg.gather [hbm4b:s2+s3], $0x80, v5, vm1, $0xb8;
	[tilespmem:$0x12C80] =	vst v63  }
0x365: {  	s29 =	simm.s32 $0x11080  }
0x366: {  	[tilespmem:s29], [sflag:$0x4] =	stream.indirect_vreg.gather [hbm4b:s6+s3], $0x80, v5, vm1, $0xb8;
	[tilespmem:$0x12C80] =	vst v63  }
.Ltmp9:
0x367: {  	_ = 	snop;
	(pc) =	sbr.rel .LBB2_6-.Ltmp9, $4  }
0x368: {  	s30 =	simm.s32 $0x11880  }
0x369: {  	[tilespmem:s30], [sflag:$0x4] =	stream.indirect_vreg.gather [hbm4b:s7+s3], $0x80, v5, vm1, $0xb8;
	[tilespmem:$0x12C80] =	vst v63  }
0x36a: {  	s22 =	sadd.s32 $0x1, s22  }
0x36b: {  	[tilespmem:s31], [sflag:$0x4] =	stream.indirect_vreg.gather [hbm4b:s8+s3], $0x80, v5, vm1, $0xb8;
	[tilespmem:$0x12C80] =	vst v63  }
.LBB2_17:
0x36c: {  	_ =	sfence.sel $0x180000  }
0x36d: {  	[bflag:$0x0] =	sbarrier.arrive $0xFFFF  }
0x36e: {  	_ =	strace $0x90000047  }
0x36f: {  	s0 =	stileid.u32;
	[bflag:$0x2] =	sbarrier.arrive $0xFFFF  }
0x370: {  	p0 =	sne.s32 s0, $0x0;
	s0 =	rddreg [dreg:$0x4]  }
0x371: {  	s0 =	sadd.s32 @!p0 $0x100000, s0  }
0x372: {  	[sflag:s0] =	ssyncadd.tile.s32 @!p0 $0x1;
	_ =	shalt  }
.Lfunc_end2:
_tile_overlayer_lowered:
.L_overlay_start_2:
0x373: {  	(tag) =	ssettag $0x2  }
0x374: {  	s0 =	rddreg [dreg:$0x0];
	s2 =	stileid.u32  }
0x375: {  	s1 =	rddreg [dreg:$0x1];
	p0 =	sne.s32 s2, $0x0  }
0x376: {  	s3 =	rddreg [dreg:$0x2];
	[bflag:$0x3] =	sbarrier.arrive $0xFFFF;
	s2 =	simm.s32 @!p0 $0x1C06  }
0x377: {  	[timem:s3], [sflag:s2] =	dma.local @!p0 [hbm:s0], s1  }
0x378: {  	s0 =	simm.s32 @!p0 $0x6  }
0x379: {  	_ =	swait.ge @!p0 [sflag:s0], s1  }
0x37a: {  	s1 =	ssub.s32 @!p0 $0x0, s1;
	[sflag:s0] =	ssyncset.done @!p0 $0x0  }
0x37b: {  	[sflag:s0] =	ssyncadd.s32 @!p0 s1  }
0x37c: {  	[bflag:$0x3] =	sbarrier.arrive $0xFFFF  }
0x37d: {  	_ =	shalt  }

</sc_bundles>
